<compile_context>
chip_gen: v7x
topology: tpu7x:2x2x1
jax: 0.10.2.dev20260603
libtpu: 0.0.44.dev20260713+nightly
codegen_flags: <defaults>
</compile_context>

<pallas_src>
import functools

import jax
import jax.numpy as jnp
from jax import lax
from jax.experimental import pallas as pl
from jax.experimental.pallas import tpu as pltpu
from jax.experimental.pallas import tpu_sc as plsc

NC, NS, L = 2, 16, 16

N_NODES = 10000
E_EDGES = 320000
DIM = 128
T_SEG = 512
R_SEG = 1024
H_DIM = 256

EDC = 128
EPT = 20480
NCHT = EPT // EDC
E_PAD = EPT * NS
ZR = 80
N_NCHUNK = N_NODES // ZR
POOL_C = 80
POOL_NCHUNK = N_NODES // POOL_C

_mesh = plsc.VectorSubcoreMesh(
    core_axis_name="c", subcore_axis_name="s", num_cores=NC, num_subcores=NS)


def _zero_vmem(buf, rows):
    def body(i, carry):
        r = i // (DIM // L)
        cc = (i % (DIM // L)) * L
        buf[r, pl.ds(cc, L)] = jnp.zeros((L,), jnp.float32)
        return carry
    lax.fori_loop(0, rows * (DIM // L), body, 0)


@functools.partial(
    pl.kernel,
    out_type=jax.ShapeDtypeStruct((2 * N_NODES, DIM), jnp.float32),
    mesh=_mesh,
    scratch_types=[
        pltpu.VMEM((EDC,), jnp.int32),
        pltpu.VMEM((EDC,), jnp.int32),
        pltpu.VMEM((EDC,), jnp.int32),
        pltpu.VMEM((EDC,), jnp.int32),
        pltpu.VMEM((EDC, DIM), jnp.float32),
        pltpu.VMEM((EDC, DIM), jnp.float32),
        pltpu.VMEM((ZR, DIM), jnp.float32),
        pltpu.VMEM_SHARED((N_NODES, DIM), jnp.float32),
        pltpu.SemaphoreType.DMA,
        pltpu.SemaphoreType.DMA,
        pltpu.SemaphoreType.DMA,
        pltpu.SemaphoreType.DMA,
    ],
)
def _edge_agg(src_all, dst_all, x_all, out, sbuf_a, sbuf_b, dbuf_a, dbuf_b,
              rows_a, rows_b, zbuf, acc, sem_a, sem_b, sem_ia, sem_ib):
    c = lax.axis_index("c")
    s = lax.axis_index("s")

    _zero_vmem(zbuf, ZR)

    def zbody(k, carry):
        g = s + k * NS

        @pl.when(g < N_NCHUNK)
        def _():
            pltpu.sync_copy(zbuf, acc.at[pl.ds(g * ZR, ZR)])
        return carry

    lax.fori_loop(0, (N_NCHUNK + NS - 1) // NS, zbody, 0)

    ebase = c * E_PAD + s * EPT

    pltpu.sync_copy(src_all.at[pl.ds(ebase, EDC)], sbuf_a)
    pltpu.sync_copy(dst_all.at[pl.ds(ebase, EDC)], dbuf_a)
    plsc.subcore_barrier()
    pltpu.async_copy(x_all.at[sbuf_a], rows_a, sem_a)
    pltpu.sync_copy(src_all.at[pl.ds(ebase + EDC, EDC)], sbuf_b)
    pltpu.sync_copy(dst_all.at[pl.ds(ebase + EDC, EDC)], dbuf_b)

    def body(k, carry):
        g0 = 2 * k
        more = g0 + 2 < NCHT

        pltpu.make_async_copy(x_all.at[sbuf_a], rows_a, sem_a).wait()
        pltpu.async_copy(x_all.at[sbuf_b], rows_b, sem_b)

        @pl.when(more)
        def _():
            base = ebase + (g0 + 2) * EDC
            pltpu.async_copy(src_all.at[pl.ds(base, EDC)], sbuf_a, sem_ia)

        pltpu.sync_copy(rows_a, acc.at[dbuf_a], add=True)

        @pl.when(more)
        def _():
            base = ebase + (g0 + 2) * EDC
            pltpu.async_copy(dst_all.at[pl.ds(base, EDC)], dbuf_a, sem_ia)

        pltpu.make_async_copy(x_all.at[sbuf_b], rows_b, sem_b).wait()

        @pl.when(more)
        def _():
            pltpu.make_async_copy(src_all.at[pl.ds(0, EDC)], sbuf_a, sem_ia).wait()
            pltpu.make_async_copy(dst_all.at[pl.ds(0, EDC)], dbuf_a, sem_ia).wait()
            pltpu.async_copy(x_all.at[sbuf_a], rows_a, sem_a)
            base = ebase + (g0 + 3) * EDC
            pltpu.async_copy(src_all.at[pl.ds(base, EDC)], sbuf_b, sem_ib)

        pltpu.sync_copy(rows_b, acc.at[dbuf_b], add=True)

        @pl.when(more)
        def _():
            base = ebase + (g0 + 3) * EDC
            pltpu.async_copy(dst_all.at[pl.ds(base, EDC)], dbuf_b, sem_ib)
            pltpu.make_async_copy(src_all.at[pl.ds(0, EDC)], sbuf_b, sem_ib).wait()
            pltpu.make_async_copy(dst_all.at[pl.ds(0, EDC)], dbuf_b, sem_ib).wait()
        return carry

    lax.fori_loop(0, NCHT // 2, body, 0)
    plsc.subcore_barrier()

    def obody(k, carry):
        g = s + k * NS

        @pl.when(g < N_NCHUNK)
        def _():
            pltpu.sync_copy(acc.at[pl.ds(g * ZR, ZR)],
                            out.at[pl.ds(c * N_NODES + g * ZR, ZR)])
        return carry

    lax.fori_loop(0, (N_NCHUNK + NS - 1) // NS, obody, 0)


_GNN_BLK = 1000


_NBLK = 2 * N_NODES // _GNN_BLK
_SEGS = T_SEG + R_SEG


def _self_body(x_ref, wps, wrs, bp, br, o_ref):
    i = pl.program_id(0)
    is_prod = i < (N_NODES // _GNN_BLK)
    ws = jnp.where(is_prod, wps[...], wrs[...])
    b = jnp.where(is_prod, bp[...], br[...])
    o_ref[...] = (jnp.dot(x_ref[...], ws, preferred_element_type=jnp.float32)
                  + b)


def _self_pre(x_all, wps, wrs, bp, br):
    wspec = pl.BlockSpec((DIM, DIM), lambda i: (0, 0))
    bspec = pl.BlockSpec((1, DIM), lambda i: (0, 0))
    return pl.pallas_call(
        _self_body,
        grid=(_NBLK,),
        in_specs=[pl.BlockSpec((_GNN_BLK, DIM), lambda i: (i, 0)),
                  wspec, wspec, bspec, bspec],
        out_specs=pl.BlockSpec((_GNN_BLK, DIM), lambda i: (i, 0)),
        out_shape=jax.ShapeDtypeStruct((2 * N_NODES, DIM), jnp.float32),
    )(x_all, wps, wrs, bp, br)


def _fused_body(s_ref, a_ref, bid_ref, ridx_ref, wpn, wrn, w1, b1, w2, b2,
                o_ref, acc_ref):
    i = pl.program_id(0)
    is_prod = i < (N_NODES // _GNN_BLK)
    wn = jnp.where(is_prod, wpn[...], wrn[...])
    h = jnp.maximum(
        s_ref[...]
        + jnp.dot(a_ref[...], wn, preferred_element_type=jnp.float32), 0.0)

    seg = lax.broadcasted_iota(jnp.int32, (_GNN_BLK, _SEGS), 1)
    onehot = (seg == bid_ref[...]).astype(jnp.float32)
    part = lax.dot_general(onehot, h, (((0,), (0,)), ((), ())),
                           preferred_element_type=jnp.float32)

    @pl.when(i == 0)
    def _():
        acc_ref[...] = part

    @pl.when(i > 0)
    def _():
        acc_ref[...] += part

    @pl.when(i == _NBLK - 1)
    def _():
        prods = acc_ref[0:T_SEG, :]
        rxt = jnp.maximum(acc_ref[T_SEG:, :], 0.0)
        ids2 = ridx_ref[...]
        t2 = lax.broadcasted_iota(jnp.int32, (T_SEG, R_SEG), 0)
        oh2 = (t2 == ids2).astype(jnp.float32)
        pooled = jnp.dot(oh2, rxt, preferred_element_type=jnp.float32)
        feats = jnp.concatenate([prods, pooled], axis=1)
        h1 = jnp.maximum(
            jnp.dot(feats, w1[...], preferred_element_type=jnp.float32)
            + b1[...], 0.0)
        o_ref[...] = (jnp.dot(h1, w2[...], preferred_element_type=jnp.float32)
                      + b2[...])


def _fused_dense(self_pre, agg, bids, rx_idx, wpn, wrn, w1, b1, w2, b2):
    wspec = pl.BlockSpec((DIM, DIM), lambda i: (0, 0))
    bspec = pl.BlockSpec((1, DIM), lambda i: (0, 0))
    return pl.pallas_call(
        _fused_body,
        grid=(_NBLK,),
        in_specs=[
            pl.BlockSpec((_GNN_BLK, DIM), lambda i: (i, 0)),
            pl.BlockSpec((_GNN_BLK, DIM), lambda i: (i, 0)),
            pl.BlockSpec((_GNN_BLK, 1), lambda i: (i, 0)),
            pl.BlockSpec((1, R_SEG), lambda i: (0, 0)),
            wspec, wspec,
            pl.BlockSpec((2 * DIM, H_DIM), lambda i: (0, 0)),
            pl.BlockSpec((1, H_DIM), lambda i: (0, 0)),
            pl.BlockSpec((H_DIM, DIM), lambda i: (0, 0)),
            bspec,
        ],
        out_specs=pl.BlockSpec((T_SEG, DIM), lambda i: (0, 0)),
        out_shape=jax.ShapeDtypeStruct((T_SEG, DIM), jnp.float32),
        scratch_shapes=[pltpu.VMEM((_SEGS, DIM), jnp.float32)],
    )(self_pre, agg, bids, rx_idx, wpn, wrn, w1, b1, w2, b2)


def kernel(x_prod, edge_index_prod, batch_prod, x_react, edge_index_react,
           batch_react, rxtant_indices, W_prod_self, W_prod_nbr, b_prod,
           W_react_self, W_react_nbr, b_react, W1, b1, W2, b2):
    x_all = jnp.concatenate(
        [x_prod, x_react, jnp.zeros((8, DIM), jnp.float32)], axis=0)
    npad = E_PAD - E_EDGES
    pad_iota = jnp.arange(npad, dtype=jnp.int32)
    src_fill = 2 * N_NODES + (pad_iota % 8)
    dst_fill = (pad_iota * 79) % N_NODES
    src_all = jnp.concatenate(
        [edge_index_prod[0], src_fill, edge_index_react[0] + N_NODES, src_fill])
    dst_all = jnp.concatenate(
        [edge_index_prod[1], dst_fill, edge_index_react[1], dst_fill])

    self_pre = _self_pre(x_all[: 2 * N_NODES], W_prod_self, W_react_self,
                         b_prod.reshape(1, DIM), b_react.reshape(1, DIM))
    agg = _edge_agg(src_all, dst_all, x_all)

    bshift = jnp.concatenate(
        [batch_prod.astype(jnp.int32),
         batch_react.astype(jnp.int32) + T_SEG])
    return _fused_dense(self_pre, agg, bshift.reshape(2 * N_NODES, 1),
                        rxtant_indices.reshape(1, R_SEG),
                        W_prod_nbr, W_react_nbr,
                        W1, b1.reshape(1, H_DIM), W2, b2.reshape(1, DIM))

# --- scband reference (transcript-rebuilt; emitter-appended) ---
"""Pipeline reference for scband-deepset-temp-featurizer-83708912599357 (READ-ONLY COPY).

The authoritative reference and input builder live on the scoring server;
editing this copy changes nothing except your own understanding.
"""

import jax, jax.numpy as jnp
import numpy as np

N_PROD = 10000
E_PROD = 320000
N_REACT = 10000
E_REACT = 320000
T = 512
R = 1024
D = 128
H = 256


def setup_inputs(seed: int = 0) -> dict:
    key = jax.random.key(seed)
    ks = jax.random.split(key, 20)
    x_prod = jax.random.normal(ks[0], (N_PROD, D), dtype=jnp.float32)
    edge_index_prod = jax.random.randint(ks[1], (2, E_PROD), 0, N_PROD)
    batch_prod = jnp.sort(jax.random.randint(ks[2], (N_PROD,), 0, T))
    x_react = jax.random.normal(ks[3], (N_REACT, D), dtype=jnp.float32)
    edge_index_react = jax.random.randint(ks[4], (2, E_REACT), 0, N_REACT)
    batch_react = jnp.sort(jax.random.randint(ks[5], (N_REACT,), 0, R))
    rxtant_indices = jnp.sort(jax.random.randint(ks[6], (R,), 0, T))
    s = 1.0 / np.sqrt(D)
    W_prod_self = jax.random.normal(ks[7], (D, D), dtype=jnp.float32) * s
    W_prod_nbr = jax.random.normal(ks[8], (D, D), dtype=jnp.float32) * s
    b_prod = jnp.zeros((D,), dtype=jnp.float32)
    W_react_self = jax.random.normal(ks[9], (D, D), dtype=jnp.float32) * s
    W_react_nbr = jax.random.normal(ks[10], (D, D), dtype=jnp.float32) * s
    b_react = jnp.zeros((D,), dtype=jnp.float32)
    W1 = jax.random.normal(ks[11], (2 * D, H), dtype=jnp.float32) / np.sqrt(2 * D)
    b1 = jnp.zeros((H,), dtype=jnp.float32)
    W2 = jax.random.normal(ks[12], (H, D), dtype=jnp.float32) / np.sqrt(H)
    b2 = jnp.zeros((D,), dtype=jnp.float32)
    return {
        'x_prod': x_prod, 'edge_index_prod': edge_index_prod, 'batch_prod': batch_prod,
        'x_react': x_react, 'edge_index_react': edge_index_react, 'batch_react': batch_react,
        'rxtant_indices': rxtant_indices,
        'W_prod_self': W_prod_self, 'W_prod_nbr': W_prod_nbr, 'b_prod': b_prod,
        'W_react_self': W_react_self, 'W_react_nbr': W_react_nbr, 'b_react': b_react,
        'W1': W1, 'b1': b1, 'W2': W2, 'b2': b2,
    }


def _gnn(x, edge_index, W_self, W_nbr, b, n_nodes):
    # one message-passing layer: gather src features, transform, scatter-add to dst
    src = edge_index[0]
    dst = edge_index[1]
    msgs = jnp.take(x, src, axis=0) @ W_nbr
    agg = jax.ops.segment_sum(msgs, dst, num_segments=n_nodes)
    h = jax.nn.relu(x @ W_self + agg + b)
    return h


def reference(x_prod, edge_index_prod, batch_prod, x_react, edge_index_react, batch_react,
              rxtant_indices, W_prod_self, W_prod_nbr, b_prod, W_react_self, W_react_nbr,
              b_react, W1, b1, W2, b2):
    # product GNN -> per-graph sum pooling
    hp = _gnn(x_prod, edge_index_prod, W_prod_self, W_prod_nbr, b_prod, N_PROD)
    prods = jax.ops.segment_sum(hp, batch_prod, num_segments=T)
    # reactant GNN -> per-graph sum pooling
    hr = _gnn(x_react, edge_index_react, W_react_self, W_react_nbr, b_react, N_REACT)
    rxtants = jax.ops.segment_sum(hr, batch_react, num_segments=R)
    rxtants = jax.nn.relu(rxtants)
    # deepset aggregation of reactant graphs into templates (scatter-add by rxtant_indices)
    rxtants = jax.ops.segment_sum(rxtants, rxtant_indices, num_segments=T)
    feats = jnp.concatenate((prods, rxtants), axis=1)
    # readout MLP: Linear(2D, H) + relu + Linear(H, D)
    out = jax.nn.relu(feats @ W1 + b1) @ W2 + b2
    return out

if __name__ == "__main__":
    import jax
    _d = setup_inputs()
    print(jax.jit(kernel)(*tuple(_d.values())))

</pallas_src>

<mosaic_0001>
#map = affine_map<(d0, d1) -> (0)>
#map1 = affine_map<(d0, d1) -> (0, 0)>
module attributes {stable_mosaic.version = 14 : i64} {
  func.func @_edge_agg(%arg0: i32, %arg1: i32, %arg2: memref<655360xi32, #tpu.memory_space<hbm>>, %arg3: memref<655360xi32, #tpu.memory_space<hbm>>, %arg4: memref<20008x128xf32, #tpu.memory_space<hbm>>, %arg5: memref<20000x128xf32, #tpu.memory_space<hbm>>, %arg6: memref<128xi32, #tpu.memory_space<vmem>>, %arg7: memref<128xi32, #tpu.memory_space<vmem>>, %arg8: memref<128xi32, #tpu.memory_space<vmem>>, %arg9: memref<128xi32, #tpu.memory_space<vmem>>, %arg10: memref<128x128xf32, #tpu.memory_space<vmem>>, %arg11: memref<128x128xf32, #tpu.memory_space<vmem>>, %arg12: memref<80x128xf32, #tpu.memory_space<vmem>>, %arg13: memref<10000x128xf32, #tpu.memory_space<vmem_shared>>, %arg14: memref<!tpu.dma_semaphore, #tpu.memory_space<semaphore_mem>>, %arg15: memref<!tpu.dma_semaphore, #tpu.memory_space<semaphore_mem>>, %arg16: memref<!tpu.dma_semaphore, #tpu.memory_space<semaphore_mem>>, %arg17: memref<!tpu.dma_semaphore, #tpu.memory_space<semaphore_mem>>) attributes {dimension_semantics = [#tpu.dimension_semantics<core_parallel>, #tpu.dimension_semantics<subcore_parallel>], iteration_bounds = array<i64: 2, 16>, scalar_prefetch = 0 : i64, scratch_operands = 12 : i64, tpu.core_type = #tpu.core_type<sc_vector_subcore>, window_params = [{transform_indices = #map}, {transform_indices = #map}, {transform_indices = #map1}, {transform_indices = #map1}]} {
    %scan3A = arith.constant 0 : i32
    %scan3A_0 = arith.constant 0 : i32
    %scan3A_1 = arith.constant 640 : i32
    %scan3A_2 = arith.addi %scan3A_0, %scan3A_1 : i32
    %scan3A_3 = arith.constant 1 : i32
    scf.for %scan3A_33 = %scan3A_0 to %scan3A_2 step %scan3A_3  : i32 {
      %jit3A = arith.constant 8 : i32
      %div3A = arith.divsi %scan3A_33, %jit3A : i32
      %sign3A = arith.constant 0 : i32
      %sign3A_34 = arith.cmpi sgt, %scan3A_33, %sign3A : i32
      %sign3A_35 = arith.extui %sign3A_34 : i1 to i32
      %sign3A_36 = arith.constant 0 : i32
      %sign3A_37 = arith.cmpi slt, %scan3A_33, %sign3A_36 : i32
      %sign3A_38 = arith.extui %sign3A_37 : i1 to i32
      %sign3A_39 = arith.subi %sign3A_35, %sign3A_38 : i32
      %sign3A_40 = arith.constant 0 : i32
      %sign3A_41 = arith.cmpi sgt, %jit3A, %sign3A_40 : i32
      %sign3A_42 = arith.extui %sign3A_41 : i1 to i32
      %sign3A_43 = arith.constant 0 : i32
      %sign3A_44 = arith.cmpi slt, %jit3A, %sign3A_43 : i32
      %sign3A_45 = arith.extui %sign3A_44 : i1 to i32
      %sign3A_46 = arith.subi %sign3A_42, %sign3A_45 : i32
      %ne3A = arith.cmpi ne, %sign3A_39, %sign3A_46 : i32
      %rem3A = arith.remsi %scan3A_33, %jit3A : i32
      %ne3A_47 = arith.constant 0 : i32
      %ne3A_48 = arith.cmpi ne, %rem3A, %ne3A_47 : i32
      %and3A = arith.andi %ne3A, %ne3A_48 : i1
      %sub3A = arith.constant 1 : i32
      %sub3A_49 = arith.subi %div3A, %sub3A : i32
      %select_n3A = arith.select %and3A, %sub3A_49, %div3A : i32
      %jit3A_50 = arith.constant 8 : i32
      %eq3A = arith.constant 0 : i32
      %eq3A_51 = arith.cmpi eq, %jit3A_50, %eq3A : i32
      %jit3A_52 = arith.constant 1 : i32
      %select_n3A_53 = arith.select %eq3A_51, %jit3A_52, %jit3A_50 : i32
      %rem3A_54 = arith.remsi %scan3A_33, %select_n3A_53 : i32
      %ne3A_55 = arith.constant 0 : i32
      %ne3A_56 = arith.cmpi ne, %rem3A_54, %ne3A_55 : i32
      %lt3A = arith.constant 0 : i32
      %lt3A_57 = arith.cmpi slt, %rem3A_54, %lt3A : i32
      %lt3A_58 = arith.constant 0 : i32
      %lt3A_59 = arith.cmpi slt, %select_n3A_53, %lt3A_58 : i32
      %ne3A_60 = arith.xori %lt3A_57, %lt3A_59 : i1
      %and3A_61 = arith.andi %ne3A_60, %ne3A_56 : i1
      %add3A_62 = arith.addi %rem3A_54, %select_n3A_53 : i32
      %select_n3A_63 = arith.select %and3A_61, %add3A_62, %rem3A_54 : i32
      %mul3A_64 = arith.constant 16 : i32
      %mul3A_65 = arith.muli %select_n3A_63, %mul3A_64 : i32
      %broadcast_in_dim3A = arith.constant 0.000000e+00 : f32
      %broadcast_in_dim3A_66 = vector.broadcast %broadcast_in_dim3A : f32 to vector<16xf32>
      %swap3A = arith.index_cast %select_n3A : i32 to index
      %swap3A_67 = arith.index_cast %mul3A_65 : i32 to index
      %swap3A_68 = tpu.vector_load %arg12[%swap3A, %swap3A_67] {strides = array<i32>} : memref<80x128xf32, #tpu.memory_space<vmem>>, vector<1x16xf32>,
      %swap3A_69 = vector.shape_cast %swap3A_68 : vector<1x16xf32> to vector<16xf32>
      %swap3A_70 = vector.shape_cast %broadcast_in_dim3A_66 : vector<16xf32> to vector<1x16xf32>
      tpu.vector_store %arg12[%swap3A, %swap3A_67], %swap3A_70 {strides = array<i32>} : memref<80x128xf32, #tpu.memory_space<vmem>>, vector<1x16xf32>,
    }
    %scan3A_4 = arith.constant 640 : i32
    %scan3A_5 = arith.constant 0 : i32
    %scan3A_6 = arith.constant 0 : i32
    %scan3A_7 = arith.constant 8 : i32
    %scan3A_8 = arith.addi %scan3A_6, %scan3A_7 : i32
    %scan3A_9 = arith.constant 1 : i32
    scf.for %scan3A_33 = %scan3A_6 to %scan3A_8 step %scan3A_9  : i32 {
      %mul3A_34 = arith.constant 16 : i32
      %mul3A_35 = arith.muli %scan3A_33, %mul3A_34 : i32
      %add3A_36 = arith.addi %arg1, %mul3A_35 : i32
      %lt3A = arith.constant 125 : i32
      %lt3A_37 = arith.cmpi slt, %add3A_36, %lt3A : i32
      %convert_element_type3A = arith.extui %lt3A_37 : i1 to i32
      %cond3A = arith.constant 0 : i32
      %cond3A_38 = arith.cmpi ne, %convert_element_type3A, %cond3A : i32
      scf.if %cond3A_38 {
        %mul3A_39 = arith.constant 80 : i32
        %mul3A_40 = arith.muli %add3A_36, %mul3A_39 : i32
        "tpu.region"() ({
          %run_scoped3A = tpu.sem_alloc : memref<!tpu.dma_semaphore, #tpu.memory_space<semaphore_mem>>
          %dma_start3A_41 = arith.constant 0 : i32
          %dma_start3A_42 = tpu.memref_slice %arg13[%mul3A_40, %dma_start3A_41] : memref<10000x128xf32, #tpu.memory_space<vmem_shared>> -> memref<80x128xf32, #tpu.memory_space<vmem_shared>>
          %dma_start3A_43 = arith.constant 0 : i32
          %dma_start3A_44 = tpu.memref_slice %arg13[%mul3A_40, %dma_start3A_43] : memref<10000x128xf32, #tpu.memory_space<vmem_shared>> -> memref<80x128xf32, #tpu.memory_space<vmem_shared>>
          tpu.enqueue_dma source(%arg12 : memref<80x128xf32, #tpu.memory_space<vmem>>) target(%dma_start3A_44 : memref<80x128xf32, #tpu.memory_space<vmem_shared>>) target_semaphore(%run_scoped3A : memref<!tpu.dma_semaphore, #tpu.memory_space<semaphore_mem>>)
          %dma_wait3A = arith.constant 0 : i32
          %dma_wait3A_45 = tpu.memref_slice %arg13[%mul3A_40, %dma_wait3A] : memref<10000x128xf32, #tpu.memory_space<vmem_shared>> -> memref<80x128xf32, #tpu.memory_space<vmem_shared>>
          %dma_wait3A_46 = arith.constant 0 : i32
          %dma_wait3A_47 = tpu.memref_slice %arg13[%mul3A_40, %dma_wait3A_46] : memref<10000x128xf32, #tpu.memory_space<vmem_shared>> -> memref<80x128xf32, #tpu.memory_space<vmem_shared>>
          tpu.wait_dma2 semaphore(%run_scoped3A : memref<!tpu.dma_semaphore, #tpu.memory_space<semaphore_mem>>) src(%arg12 : memref<80x128xf32, #tpu.memory_space<vmem>>) dst(%dma_wait3A_47 : memref<80x128xf32, #tpu.memory_space<vmem_shared>>)
          tpu.yield
        }) : () -> ()
      } else {
      }
    }
    %scan3A_10 = arith.constant 8 : i32
    %mul3A = arith.constant 327680 : i32
    %mul3A_11 = arith.muli %arg0, %mul3A : i32
    %mul3A_12 = arith.constant 20480 : i32
    %mul3A_13 = arith.muli %arg1, %mul3A_12 : i32
    %add3A = arith.addi %mul3A_11, %mul3A_13 : i32
    "tpu.region"() ({
      %run_scoped3A = tpu.sem_alloc : memref<!tpu.dma_semaphore, #tpu.memory_space<semaphore_mem>>
      %dma_start3A_33 = tpu.memref_slice %arg2[%add3A] : memref<655360xi32, #tpu.memory_space<hbm>> -> memref<128xi32, #tpu.memory_space<hbm>>
      %dma_start3A_34 = tpu.memref_slice %arg2[%add3A] : memref<655360xi32, #tpu.memory_space<hbm>> -> memref<128xi32, #tpu.memory_space<hbm>>
      tpu.enqueue_dma source(%dma_start3A_34 : memref<128xi32, #tpu.memory_space<hbm>>) target(%arg6 : memref<128xi32, #tpu.memory_space<vmem>>) target_semaphore(%run_scoped3A : memref<!tpu.dma_semaphore, #tpu.memory_space<semaphore_mem>>)
      %dma_wait3A = tpu.memref_slice %arg2[%add3A] : memref<655360xi32, #tpu.memory_space<hbm>> -> memref<128xi32, #tpu.memory_space<hbm>>
      %dma_wait3A_35 = tpu.memref_slice %arg2[%add3A] : memref<655360xi32, #tpu.memory_space<hbm>> -> memref<128xi32, #tpu.memory_space<hbm>>
      tpu.wait_dma2 semaphore(%run_scoped3A : memref<!tpu.dma_semaphore, #tpu.memory_space<semaphore_mem>>) src(%dma_wait3A_35 : memref<128xi32, #tpu.memory_space<hbm>>) dst(%arg6 : memref<128xi32, #tpu.memory_space<vmem>>)
      tpu.yield
    }) : () -> ()
    "tpu.region"() ({
      %run_scoped3A = tpu.sem_alloc : memref<!tpu.dma_semaphore, #tpu.memory_space<semaphore_mem>>
      %dma_start3A_33 = tpu.memref_slice %arg3[%add3A] : memref<655360xi32, #tpu.memory_space<hbm>> -> memref<128xi32, #tpu.memory_space<hbm>>
      %dma_start3A_34 = tpu.memref_slice %arg3[%add3A] : memref<655360xi32, #tpu.memory_space<hbm>> -> memref<128xi32, #tpu.memory_space<hbm>>
      tpu.enqueue_dma source(%dma_start3A_34 : memref<128xi32, #tpu.memory_space<hbm>>) target(%arg8 : memref<128xi32, #tpu.memory_space<vmem>>) target_semaphore(%run_scoped3A : memref<!tpu.dma_semaphore, #tpu.memory_space<semaphore_mem>>)
      %dma_wait3A = tpu.memref_slice %arg3[%add3A] : memref<655360xi32, #tpu.memory_space<hbm>> -> memref<128xi32, #tpu.memory_space<hbm>>
      %dma_wait3A_35 = tpu.memref_slice %arg3[%add3A] : memref<655360xi32, #tpu.memory_space<hbm>> -> memref<128xi32, #tpu.memory_space<hbm>>
      tpu.wait_dma2 semaphore(%run_scoped3A : memref<!tpu.dma_semaphore, #tpu.memory_space<semaphore_mem>>) src(%dma_wait3A_35 : memref<128xi32, #tpu.memory_space<hbm>>) dst(%arg8 : memref<128xi32, #tpu.memory_space<vmem>>)
      tpu.yield
    }) : () -> ()
    %barrier3A = arith.constant 0 : index
    tpu.barrier barrier_id(%barrier3A)
    %dma_start3A = arith.constant 0 : i32
    %dma_start3A_14 = arith.constant 0 : i32
    %dma_start3A_15 = tpu.memref_slice %arg4[%dma_start3A, %dma_start3A_14] : memref<20008x128xf32, #tpu.memory_space<hbm>> -> memref<20008x128xf32, #tpu.memory_space<hbm>>
    tpu.enqueue_indirect_dma source(%dma_start3A_15 : memref<20008x128xf32, #tpu.memory_space<hbm>>) target(%arg10 : memref<128x128xf32, #tpu.memory_space<vmem>>) offsets(%arg6 : memref<128xi32, #tpu.memory_space<vmem>>) semaphore(%arg14 : memref<!tpu.dma_semaphore, #tpu.memory_space<semaphore_mem>>)
    %add3A_16 = arith.constant 128 : i32
    %add3A_17 = arith.addi %add3A, %add3A_16 : i32
    "tpu.region"() ({
      %run_scoped3A = tpu.sem_alloc : memref<!tpu.dma_semaphore, #tpu.memory_space<semaphore_mem>>
      %dma_start3A_33 = tpu.memref_slice %arg2[%add3A_17] : memref<655360xi32, #tpu.memory_space<hbm>> -> memref<128xi32, #tpu.memory_space<hbm>>
      %dma_start3A_34 = tpu.memref_slice %arg2[%add3A_17] : memref<655360xi32, #tpu.memory_space<hbm>> -> memref<128xi32, #tpu.memory_space<hbm>>
      tpu.enqueue_dma source(%dma_start3A_34 : memref<128xi32, #tpu.memory_space<hbm>>) target(%arg7 : memref<128xi32, #tpu.memory_space<vmem>>) target_semaphore(%run_scoped3A : memref<!tpu.dma_semaphore, #tpu.memory_space<semaphore_mem>>)
      %dma_wait3A = tpu.memref_slice %arg2[%add3A_17] : memref<655360xi32, #tpu.memory_space<hbm>> -> memref<128xi32, #tpu.memory_space<hbm>>
      %dma_wait3A_35 = tpu.memref_slice %arg2[%add3A_17] : memref<655360xi32, #tpu.memory_space<hbm>> -> memref<128xi32, #tpu.memory_space<hbm>>
      tpu.wait_dma2 semaphore(%run_scoped3A : memref<!tpu.dma_semaphore, #tpu.memory_space<semaphore_mem>>) src(%dma_wait3A_35 : memref<128xi32, #tpu.memory_space<hbm>>) dst(%arg7 : memref<128xi32, #tpu.memory_space<vmem>>)
      tpu.yield
    }) : () -> ()
    %add3A_18 = arith.constant 128 : i32
    %add3A_19 = arith.addi %add3A, %add3A_18 : i32
    "tpu.region"() ({
      %run_scoped3A = tpu.sem_alloc : memref<!tpu.dma_semaphore, #tpu.memory_space<semaphore_mem>>
      %dma_start3A_33 = tpu.memref_slice %arg3[%add3A_19] : memref<655360xi32, #tpu.memory_space<hbm>> -> memref<128xi32, #tpu.memory_space<hbm>>
      %dma_start3A_34 = tpu.memref_slice %arg3[%add3A_19] : memref<655360xi32, #tpu.memory_space<hbm>> -> memref<128xi32, #tpu.memory_space<hbm>>
      tpu.enqueue_dma source(%dma_start3A_34 : memref<128xi32, #tpu.memory_space<hbm>>) target(%arg9 : memref<128xi32, #tpu.memory_space<vmem>>) target_semaphore(%run_scoped3A : memref<!tpu.dma_semaphore, #tpu.memory_space<semaphore_mem>>)
      %dma_wait3A = tpu.memref_slice %arg3[%add3A_19] : memref<655360xi32, #tpu.memory_space<hbm>> -> memref<128xi32, #tpu.memory_space<hbm>>
      %dma_wait3A_35 = tpu.memref_slice %arg3[%add3A_19] : memref<655360xi32, #tpu.memory_space<hbm>> -> memref<128xi32, #tpu.memory_space<hbm>>
      tpu.wait_dma2 semaphore(%run_scoped3A : memref<!tpu.dma_semaphore, #tpu.memory_space<semaphore_mem>>) src(%dma_wait3A_35 : memref<128xi32, #tpu.memory_space<hbm>>) dst(%arg9 : memref<128xi32, #tpu.memory_space<vmem>>)
      tpu.yield
    }) : () -> ()
    %scan3A_20 = arith.constant 0 : i32
    %scan3A_21 = arith.constant 0 : i32
    %scan3A_22 = arith.constant 80 : i32
    %scan3A_23 = arith.addi %scan3A_21, %scan3A_22 : i32
    %scan3A_24 = arith.constant 1 : i32
    scf.for %scan3A_33 = %scan3A_21 to %scan3A_23 step %scan3A_24  : i32 {
      %mul3A_34 = arith.constant 2 : i32
      %mul3A_35 = arith.muli %mul3A_34, %scan3A_33 : i32
      %add3A_36 = arith.constant 2 : i32
      %add3A_37 = arith.addi %mul3A_35, %add3A_36 : i32
      %lt3A = arith.constant 160 : i32
      %lt3A_38 = arith.cmpi slt, %add3A_37, %lt3A : i32
      %dma_wait3A = arith.constant 0 : i32
      %dma_wait3A_39 = arith.constant 0 : i32
      %dma_wait3A_40 = tpu.memref_slice %arg4[%dma_wait3A, %dma_wait3A_39] : memref<20008x128xf32, #tpu.memory_space<hbm>> -> memref<20008x128xf32, #tpu.memory_space<hbm>>
      tpu.wait_indirect_dma semaphore(%arg14 : memref<!tpu.dma_semaphore, #tpu.memory_space<semaphore_mem>>) src(%dma_wait3A_40 : memref<20008x128xf32, #tpu.memory_space<hbm>>) dst(%arg10 : memref<128x128xf32, #tpu.memory_space<vmem>>)
      %dma_start3A_41 = arith.constant 0 : i32
      %dma_start3A_42 = arith.constant 0 : i32
      %dma_start3A_43 = tpu.memref_slice %arg4[%dma_start3A_41, %dma_start3A_42] : memref<20008x128xf32, #tpu.memory_space<hbm>> -> memref<20008x128xf32, #tpu.memory_space<hbm>>
      tpu.enqueue_indirect_dma source(%dma_start3A_43 : memref<20008x128xf32, #tpu.memory_space<hbm>>) target(%arg11 : memref<128x128xf32, #tpu.memory_space<vmem>>) offsets(%arg7 : memref<128xi32, #tpu.memory_space<vmem>>) semaphore(%arg15 : memref<!tpu.dma_semaphore, #tpu.memory_space<semaphore_mem>>)
      %convert_element_type3A = arith.extui %lt3A_38 : i1 to i32
      %cond3A = arith.constant 0 : i32
      %cond3A_44 = arith.cmpi ne, %convert_element_type3A, %cond3A : i32
      scf.if %cond3A_44 {
        %add3A_57 = arith.constant 2 : i32
        %add3A_58 = arith.addi %mul3A_35, %add3A_57 : i32
        %mul3A_59 = arith.constant 128 : i32
        %mul3A_60 = arith.muli %add3A_58, %mul3A_59 : i32
        %add3A_61 = arith.addi %add3A, %mul3A_60 : i32
        %dma_start3A_62 = tpu.memref_slice %arg2[%add3A_61] : memref<655360xi32, #tpu.memory_space<hbm>> -> memref<128xi32, #tpu.memory_space<hbm>>
        %dma_start3A_63 = tpu.memref_slice %arg2[%add3A_61] : memref<655360xi32, #tpu.memory_space<hbm>> -> memref<128xi32, #tpu.memory_space<hbm>>
        tpu.enqueue_dma source(%dma_start3A_63 : memref<128xi32, #tpu.memory_space<hbm>>) target(%arg6 : memref<128xi32, #tpu.memory_space<vmem>>) target_semaphore(%arg16 : memref<!tpu.dma_semaphore, #tpu.memory_space<semaphore_mem>>)
      } else {
      }
      "tpu.region"() ({
        %run_scoped3A = tpu.sem_alloc : memref<!tpu.dma_semaphore, #tpu.memory_space<semaphore_mem>>
        %dma_start3A_57 = arith.constant 0 : i32
        %dma_start3A_58 = arith.constant 0 : i32
        %dma_start3A_59 = tpu.memref_slice %arg13[%dma_start3A_57, %dma_start3A_58] : memref<10000x128xf32, #tpu.memory_space<vmem_shared>> -> memref<10000x128xf32, #tpu.memory_space<vmem_shared>>
        tpu.enqueue_indirect_dma source(%arg10 : memref<128x128xf32, #tpu.memory_space<vmem>>) target(%dma_start3A_59 : memref<10000x128xf32, #tpu.memory_space<vmem_shared>>) offsets(%arg8 : memref<128xi32, #tpu.memory_space<vmem>>) semaphore(%run_scoped3A : memref<!tpu.dma_semaphore, #tpu.memory_space<semaphore_mem>>) {add = true}
        %dma_wait3A_60 = arith.constant 0 : i32
        %dma_wait3A_61 = arith.constant 0 : i32
        %dma_wait3A_62 = tpu.memref_slice %arg13[%dma_wait3A_60, %dma_wait3A_61] : memref<10000x128xf32, #tpu.memory_space<vmem_shared>> -> memref<10000x128xf32, #tpu.memory_space<vmem_shared>>
        tpu.wait_indirect_dma semaphore(%run_scoped3A : memref<!tpu.dma_semaphore, #tpu.memory_space<semaphore_mem>>) src(%arg10 : memref<128x128xf32, #tpu.memory_space<vmem>>) dst(%dma_wait3A_62 : memref<10000x128xf32, #tpu.memory_space<vmem_shared>>)
        tpu.yield
      }) : () -> ()
      %convert_element_type3A_45 = arith.extui %lt3A_38 : i1 to i32
      %cond3A_46 = arith.constant 0 : i32
      %cond3A_47 = arith.cmpi ne, %convert_element_type3A_45, %cond3A_46 : i32
      scf.if %cond3A_47 {
        %add3A_57 = arith.constant 2 : i32
        %add3A_58 = arith.addi %mul3A_35, %add3A_57 : i32
        %mul3A_59 = arith.constant 128 : i32
        %mul3A_60 = arith.muli %add3A_58, %mul3A_59 : i32
        %add3A_61 = arith.addi %add3A, %mul3A_60 : i32
        %dma_start3A_62 = tpu.memref_slice %arg3[%add3A_61] : memref<655360xi32, #tpu.memory_space<hbm>> -> memref<128xi32, #tpu.memory_space<hbm>>
        %dma_start3A_63 = tpu.memref_slice %arg3[%add3A_61] : memref<655360xi32, #tpu.memory_space<hbm>> -> memref<128xi32, #tpu.memory_space<hbm>>
        tpu.enqueue_dma source(%dma_start3A_63 : memref<128xi32, #tpu.memory_space<hbm>>) target(%arg8 : memref<128xi32, #tpu.memory_space<vmem>>) target_semaphore(%arg16 : memref<!tpu.dma_semaphore, #tpu.memory_space<semaphore_mem>>)
      } else {
      }
      %dma_wait3A_48 = arith.constant 0 : i32
      %dma_wait3A_49 = arith.constant 0 : i32
      %dma_wait3A_50 = tpu.memref_slice %arg4[%dma_wait3A_48, %dma_wait3A_49] : memref<20008x128xf32, #tpu.memory_space<hbm>> -> memref<20008x128xf32, #tpu.memory_space<hbm>>
      tpu.wait_indirect_dma semaphore(%arg15 : memref<!tpu.dma_semaphore, #tpu.memory_space<semaphore_mem>>) src(%dma_wait3A_50 : memref<20008x128xf32, #tpu.memory_space<hbm>>) dst(%arg11 : memref<128x128xf32, #tpu.memory_space<vmem>>)
      %convert_element_type3A_51 = arith.extui %lt3A_38 : i1 to i32
      %cond3A_52 = arith.constant 0 : i32
      %cond3A_53 = arith.cmpi ne, %convert_element_type3A_51, %cond3A_52 : i32
      scf.if %cond3A_53 {
        %dma_wait3A_57 = arith.constant 0 : i32
        %dma_wait3A_58 = tpu.memref_slice %arg2[%dma_wait3A_57] : memref<655360xi32, #tpu.memory_space<hbm>> -> memref<128xi32, #tpu.memory_space<hbm>>
        %dma_wait3A_59 = arith.constant 0 : i32
        %dma_wait3A_60 = tpu.memref_slice %arg2[%dma_wait3A_59] : memref<655360xi32, #tpu.memory_space<hbm>> -> memref<128xi32, #tpu.memory_space<hbm>>
        tpu.wait_dma2 semaphore(%arg16 : memref<!tpu.dma_semaphore, #tpu.memory_space<semaphore_mem>>) src(%dma_wait3A_60 : memref<128xi32, #tpu.memory_space<hbm>>) dst(%arg6 : memref<128xi32, #tpu.memory_space<vmem>>)
        %dma_wait3A_61 = arith.constant 0 : i32
        %dma_wait3A_62 = tpu.memref_slice %arg3[%dma_wait3A_61] : memref<655360xi32, #tpu.memory_space<hbm>> -> memref<128xi32, #tpu.memory_space<hbm>>
        %dma_wait3A_63 = arith.constant 0 : i32
        %dma_wait3A_64 = tpu.memref_slice %arg3[%dma_wait3A_63] : memref<655360xi32, #tpu.memory_space<hbm>> -> memref<128xi32, #tpu.memory_space<hbm>>
        tpu.wait_dma2 semaphore(%arg16 : memref<!tpu.dma_semaphore, #tpu.memory_space<semaphore_mem>>) src(%dma_wait3A_64 : memref<128xi32, #tpu.memory_space<hbm>>) dst(%arg8 : memref<128xi32, #tpu.memory_space<vmem>>)
        %dma_start3A_65 = arith.constant 0 : i32
        %dma_start3A_66 = arith.constant 0 : i32
        %dma_start3A_67 = tpu.memref_slice %arg4[%dma_start3A_65, %dma_start3A_66] : memref<20008x128xf32, #tpu.memory_space<hbm>> -> memref<20008x128xf32, #tpu.memory_space<hbm>>
        tpu.enqueue_indirect_dma source(%dma_start3A_67 : memref<20008x128xf32, #tpu.memory_space<hbm>>) target(%arg10 : memref<128x128xf32, #tpu.memory_space<vmem>>) offsets(%arg6 : memref<128xi32, #tpu.memory_space<vmem>>) semaphore(%arg14 : memref<!tpu.dma_semaphore, #tpu.memory_space<semaphore_mem>>)
        %add3A_68 = arith.constant 3 : i32
        %add3A_69 = arith.addi %mul3A_35, %add3A_68 : i32
        %mul3A_70 = arith.constant 128 : i32
        %mul3A_71 = arith.muli %add3A_69, %mul3A_70 : i32
        %add3A_72 = arith.addi %add3A, %mul3A_71 : i32
        %dma_start3A_73 = tpu.memref_slice %arg2[%add3A_72] : memref<655360xi32, #tpu.memory_space<hbm>> -> memref<128xi32, #tpu.memory_space<hbm>>
        %dma_start3A_74 = tpu.memref_slice %arg2[%add3A_72] : memref<655360xi32, #tpu.memory_space<hbm>> -> memref<128xi32, #tpu.memory_space<hbm>>
        tpu.enqueue_dma source(%dma_start3A_74 : memref<128xi32, #tpu.memory_space<hbm>>) target(%arg7 : memref<128xi32, #tpu.memory_space<vmem>>) target_semaphore(%arg17 : memref<!tpu.dma_semaphore, #tpu.memory_space<semaphore_mem>>)
      } else {
      }
      "tpu.region"() ({
        %run_scoped3A = tpu.sem_alloc : memref<!tpu.dma_semaphore, #tpu.memory_space<semaphore_mem>>
        %dma_start3A_57 = arith.constant 0 : i32
        %dma_start3A_58 = arith.constant 0 : i32
        %dma_start3A_59 = tpu.memref_slice %arg13[%dma_start3A_57, %dma_start3A_58] : memref<10000x128xf32, #tpu.memory_space<vmem_shared>> -> memref<10000x128xf32, #tpu.memory_space<vmem_shared>>
        tpu.enqueue_indirect_dma source(%arg11 : memref<128x128xf32, #tpu.memory_space<vmem>>) target(%dma_start3A_59 : memref<10000x128xf32, #tpu.memory_space<vmem_shared>>) offsets(%arg9 : memref<128xi32, #tpu.memory_space<vmem>>) semaphore(%run_scoped3A : memref<!tpu.dma_semaphore, #tpu.memory_space<semaphore_mem>>) {add = true}
        %dma_wait3A_60 = arith.constant 0 : i32
        %dma_wait3A_61 = arith.constant 0 : i32
        %dma_wait3A_62 = tpu.memref_slice %arg13[%dma_wait3A_60, %dma_wait3A_61] : memref<10000x128xf32, #tpu.memory_space<vmem_shared>> -> memref<10000x128xf32, #tpu.memory_space<vmem_shared>>
        tpu.wait_indirect_dma semaphore(%run_scoped3A : memref<!tpu.dma_semaphore, #tpu.memory_space<semaphore_mem>>) src(%arg11 : memref<128x128xf32, #tpu.memory_space<vmem>>) dst(%dma_wait3A_62 : memref<10000x128xf32, #tpu.memory_space<vmem_shared>>)
        tpu.yield
      }) : () -> ()
      %convert_element_type3A_54 = arith.extui %lt3A_38 : i1 to i32
      %cond3A_55 = arith.constant 0 : i32
      %cond3A_56 = arith.cmpi ne, %convert_element_type3A_54, %cond3A_55 : i32
      scf.if %cond3A_56 {
        %add3A_57 = arith.constant 3 : i32
        %add3A_58 = arith.addi %mul3A_35, %add3A_57 : i32
        %mul3A_59 = arith.constant 128 : i32
        %mul3A_60 = arith.muli %add3A_58, %mul3A_59 : i32
        %add3A_61 = arith.addi %add3A, %mul3A_60 : i32
        %dma_start3A_62 = tpu.memref_slice %arg3[%add3A_61] : memref<655360xi32, #tpu.memory_space<hbm>> -> memref<128xi32, #tpu.memory_space<hbm>>
        %dma_start3A_63 = tpu.memref_slice %arg3[%add3A_61] : memref<655360xi32, #tpu.memory_space<hbm>> -> memref<128xi32, #tpu.memory_space<hbm>>
        tpu.enqueue_dma source(%dma_start3A_63 : memref<128xi32, #tpu.memory_space<hbm>>) target(%arg9 : memref<128xi32, #tpu.memory_space<vmem>>) target_semaphore(%arg17 : memref<!tpu.dma_semaphore, #tpu.memory_space<semaphore_mem>>)
        %dma_wait3A_64 = arith.constant 0 : i32
        %dma_wait3A_65 = tpu.memref_slice %arg2[%dma_wait3A_64] : memref<655360xi32, #tpu.memory_space<hbm>> -> memref<128xi32, #tpu.memory_space<hbm>>
        %dma_wait3A_66 = arith.constant 0 : i32
        %dma_wait3A_67 = tpu.memref_slice %arg2[%dma_wait3A_66] : memref<655360xi32, #tpu.memory_space<hbm>> -> memref<128xi32, #tpu.memory_space<hbm>>
        tpu.wait_dma2 semaphore(%arg17 : memref<!tpu.dma_semaphore, #tpu.memory_space<semaphore_mem>>) src(%dma_wait3A_67 : memref<128xi32, #tpu.memory_space<hbm>>) dst(%arg7 : memref<128xi32, #tpu.memory_space<vmem>>)
        %dma_wait3A_68 = arith.constant 0 : i32
        %dma_wait3A_69 = tpu.memref_slice %arg3[%dma_wait3A_68] : memref<655360xi32, #tpu.memory_space<hbm>> -> memref<128xi32, #tpu.memory_space<hbm>>
        %dma_wait3A_70 = arith.constant 0 : i32
        %dma_wait3A_71 = tpu.memref_slice %arg3[%dma_wait3A_70] : memref<655360xi32, #tpu.memory_space<hbm>> -> memref<128xi32, #tpu.memory_space<hbm>>
        tpu.wait_dma2 semaphore(%arg17 : memref<!tpu.dma_semaphore, #tpu.memory_space<semaphore_mem>>) src(%dma_wait3A_71 : memref<128xi32, #tpu.memory_space<hbm>>) dst(%arg9 : memref<128xi32, #tpu.memory_space<vmem>>)
      } else {
      }
    }
    %scan3A_25 = arith.constant 80 : i32
    %barrier3A_26 = arith.constant 0 : index
    tpu.barrier barrier_id(%barrier3A_26)
    %scan3A_27 = arith.constant 0 : i32
    %scan3A_28 = arith.constant 0 : i32
    %scan3A_29 = arith.constant 8 : i32
    %scan3A_30 = arith.addi %scan3A_28, %scan3A_29 : i32
    %scan3A_31 = arith.constant 1 : i32
    scf.for %scan3A_33 = %scan3A_28 to %scan3A_30 step %scan3A_31  : i32 {
      %mul3A_34 = arith.constant 16 : i32
      %mul3A_35 = arith.muli %scan3A_33, %mul3A_34 : i32
      %add3A_36 = arith.addi %arg1, %mul3A_35 : i32
      %lt3A = arith.constant 125 : i32
      %lt3A_37 = arith.cmpi slt, %add3A_36, %lt3A : i32
      %convert_element_type3A = arith.extui %lt3A_37 : i1 to i32
      %cond3A = arith.constant 0 : i32
      %cond3A_38 = arith.cmpi ne, %convert_element_type3A, %cond3A : i32
      scf.if %cond3A_38 {
        %mul3A_39 = arith.constant 80 : i32
        %mul3A_40 = arith.muli %add3A_36, %mul3A_39 : i32
        %mul3A_41 = arith.constant 10000 : i32
        %mul3A_42 = arith.muli %arg0, %mul3A_41 : i32
        %mul3A_43 = arith.constant 80 : i32
        %mul3A_44 = arith.muli %add3A_36, %mul3A_43 : i32
        %add3A_45 = arith.addi %mul3A_42, %mul3A_44 : i32
        "tpu.region"() ({
          %run_scoped3A = tpu.sem_alloc : memref<!tpu.dma_semaphore, #tpu.memory_space<semaphore_mem>>
          %dma_start3A_46 = arith.constant 0 : i32
          %dma_start3A_47 = tpu.memref_slice %arg5[%add3A_45, %dma_start3A_46] : memref<20000x128xf32, #tpu.memory_space<hbm>> -> memref<80x128xf32, #tpu.memory_space<hbm>>
          %dma_start3A_48 = arith.constant 0 : i32
          %dma_start3A_49 = tpu.memref_slice %arg13[%mul3A_40, %dma_start3A_48] : memref<10000x128xf32, #tpu.memory_space<vmem_shared>> -> memref<80x128xf32, #tpu.memory_space<vmem_shared>>
          tpu.enqueue_dma source(%dma_start3A_49 : memref<80x128xf32, #tpu.memory_space<vmem_shared>>) target(%dma_start3A_47 : memref<80x128xf32, #tpu.memory_space<hbm>>) target_semaphore(%run_scoped3A : memref<!tpu.dma_semaphore, #tpu.memory_space<semaphore_mem>>)
          %dma_wait3A = arith.constant 0 : i32
          %dma_wait3A_50 = tpu.memref_slice %arg5[%add3A_45, %dma_wait3A] : memref<20000x128xf32, #tpu.memory_space<hbm>> -> memref<80x128xf32, #tpu.memory_space<hbm>>
          %dma_wait3A_51 = arith.constant 0 : i32
          %dma_wait3A_52 = tpu.memref_slice %arg13[%mul3A_40, %dma_wait3A_51] : memref<10000x128xf32, #tpu.memory_space<vmem_shared>> -> memref<80x128xf32, #tpu.memory_space<vmem_shared>>
          tpu.wait_dma2 semaphore(%run_scoped3A : memref<!tpu.dma_semaphore, #tpu.memory_space<semaphore_mem>>) src(%dma_wait3A_52 : memref<80x128xf32, #tpu.memory_space<vmem_shared>>) dst(%dma_wait3A_50 : memref<80x128xf32, #tpu.memory_space<hbm>>)
          tpu.yield
        }) : () -> ()
      } else {
      }
    }
    %scan3A_32 = arith.constant 8 : i32
    return
  }
}

module attributes {stable_mosaic.version = 14 : i64} {
  func.func @_self_body(%arg0: i32, %arg1: memref<1000x128xf32, #tpu.memory_space<vmem>>, %arg2: memref<128x128xf32, #tpu.memory_space<vmem>>, %arg3: memref<128x128xf32, #tpu.memory_space<vmem>>, %arg4: memref<1x128xf32, #tpu.memory_space<vmem>>, %arg5: memref<1x128xf32, #tpu.memory_space<vmem>>, %arg6: memref<1000x128xf32, #tpu.memory_space<vmem>>) attributes {dimension_semantics = [#tpu.dimension_semantics<arbitrary>], iteration_bounds = array<i64: 20>, scalar_prefetch = 0 : i64, scratch_operands = 0 : i64, tpu.core_type = #tpu.core_type<tc>, window_params = [{transform_indices = @transform_0, window_bounds = array<i64: 1000, 128>}, {pipeline_mode = #tpu.pipeline_mode<synchronous>, transform_indices = @transform_1, window_bounds = array<i64: 128, 128>}, {pipeline_mode = #tpu.pipeline_mode<synchronous>, transform_indices = @transform_2, window_bounds = array<i64: 128, 128>}, {pipeline_mode = #tpu.pipeline_mode<synchronous>, transform_indices = @transform_3, window_bounds = array<i64: 1, 128>}, {pipeline_mode = #tpu.pipeline_mode<synchronous>, transform_indices = @transform_4, window_bounds = array<i64: 1, 128>}, {transform_indices = @transform_5, window_bounds = array<i64: 1000, 128>}]} {
    %lt3A = arith.constant 10 : i32
    %lt3A_0 = arith.cmpi slt, %arg0, %lt3A : i32
    %get3A = arith.constant 0 : index
    %get3A_1 = arith.constant 0 : index
    %get3A_2 = vector.load %arg2[%get3A, %get3A_1] : memref<128x128xf32, #tpu.memory_space<vmem>>, vector<128x128xf32>
    %get3A_3 = arith.constant 0 : index
    %get3A_4 = arith.constant 0 : index
    %get3A_5 = vector.load %arg3[%get3A_3, %get3A_4] : memref<128x128xf32, #tpu.memory_space<vmem>>, vector<128x128xf32>
    %select_n3A = arith.select %lt3A_0, %get3A_2, %get3A_5 : vector<128x128xf32>
    %get3A_6 = arith.constant 0 : index
    %get3A_7 = arith.constant 0 : index
    %get3A_8 = vector.load %arg4[%get3A_6, %get3A_7] : memref<1x128xf32, #tpu.memory_space<vmem>>, vector<1x128xf32>
    %get3A_9 = arith.constant 0 : index
    %get3A_10 = arith.constant 0 : index
    %get3A_11 = vector.load %arg5[%get3A_9, %get3A_10] : memref<1x128xf32, #tpu.memory_space<vmem>>, vector<1x128xf32>
    %select_n3A_12 = arith.select %lt3A_0, %get3A_8, %get3A_11 : vector<1x128xf32>
    %get3A_13 = arith.constant 0 : index
    %get3A_14 = arith.constant 0 : index
    %get3A_15 = vector.load %arg1[%get3A_13, %get3A_14] : memref<1000x128xf32, #tpu.memory_space<vmem>>, vector<1000x128xf32>
    %dot_general3A = arith.constant dense<0.000000e+00> : vector<1000x128xf32>
    %dot_general3A_16 = tpu.matmul %get3A_15, %select_n3A, %dot_general3A {dimension_numbers = #tpu.dot_dimension_numbers<[1], [0], [0], [1], [0, 0, 1, 1], [], []>, transpose_lhs_hint = false} : vector<1000x128xf32>, vector<128x128xf32>, vector<1000x128xf32> -> vector<1000x128xf32>
    %add3A = vector.broadcast %select_n3A_12 : vector<1x128xf32> to vector<1000x128xf32>
    %add3A_17 = arith.addf %dot_general3A_16, %add3A : vector<1000x128xf32>
    %swap3A = arith.constant 0 : index
    %swap3A_18 = arith.constant 0 : index
    %swap3A_19 = vector.load %arg6[%swap3A, %swap3A_18] : memref<1000x128xf32, #tpu.memory_space<vmem>>, vector<1000x128xf32>
    tpu.vector_store %arg6[%swap3A, %swap3A_18], %add3A_17 {strides = array<i32>} : memref<1000x128xf32, #tpu.memory_space<vmem>>, vector<1000x128xf32>,
    return
  }
  func.func @transform_0(%arg0: i32) -> (i32, i32) {
    %c0_i32 = arith.constant 0 : i32
    %c0_i32_0 = arith.constant 0 : i32
    return %arg0, %c0_i32 : i32, i32
  }
  func.func @transform_1(%arg0: i32) -> (i32, i32) {
    %c0_i32 = arith.constant 0 : i32
    %c0_i32_0 = arith.constant 0 : i32
    %c0_i32_1 = arith.constant 0 : i32
    return %c0_i32, %c0_i32_0 : i32, i32
  }
  func.func @transform_2(%arg0: i32) -> (i32, i32) {
    %c0_i32 = arith.constant 0 : i32
    %c0_i32_0 = arith.constant 0 : i32
    %c0_i32_1 = arith.constant 0 : i32
    return %c0_i32, %c0_i32_0 : i32, i32
  }
  func.func @transform_3(%arg0: i32) -> (i32, i32) {
    %c0_i32 = arith.constant 0 : i32
    %c0_i32_0 = arith.constant 0 : i32
    %c0_i32_1 = arith.constant 0 : i32
    return %c0_i32, %c0_i32_0 : i32, i32
  }
  func.func @transform_4(%arg0: i32) -> (i32, i32) {
    %c0_i32 = arith.constant 0 : i32
    %c0_i32_0 = arith.constant 0 : i32
    %c0_i32_1 = arith.constant 0 : i32
    return %c0_i32, %c0_i32_0 : i32, i32
  }
  func.func @transform_5(%arg0: i32) -> (i32, i32) {
    %c0_i32 = arith.constant 0 : i32
    %c0_i32_0 = arith.constant 0 : i32
    return %arg0, %c0_i32 : i32, i32
  }
}

module attributes {stable_mosaic.version = 14 : i64} {
  func.func @_fused_body(%arg0: i32, %arg1: memref<1000x128xf32, #tpu.memory_space<vmem>>, %arg2: memref<1000x128xf32, #tpu.memory_space<vmem>>, %arg3: memref<1000x1xi32, #tpu.memory_space<vmem>>, %arg4: memref<1x1024xi32, #tpu.memory_space<vmem>>, %arg5: memref<128x128xf32, #tpu.memory_space<vmem>>, %arg6: memref<128x128xf32, #tpu.memory_space<vmem>>, %arg7: memref<256x256xf32, #tpu.memory_space<vmem>>, %arg8: memref<1x256xf32, #tpu.memory_space<vmem>>, %arg9: memref<256x128xf32, #tpu.memory_space<vmem>>, %arg10: memref<1x128xf32, #tpu.memory_space<vmem>>, %arg11: memref<512x128xf32, #tpu.memory_space<vmem>>, %arg12: memref<1536x128xf32, #tpu.memory_space<vmem>>) attributes {dimension_semantics = [#tpu.dimension_semantics<arbitrary>], iteration_bounds = array<i64: 20>, scalar_prefetch = 0 : i64, scratch_operands = 1 : i64, tpu.core_type = #tpu.core_type<tc>, window_params = [{transform_indices = @transform_0, window_bounds = array<i64: 1000, 128>}, {transform_indices = @transform_1, window_bounds = array<i64: 1000, 128>}, {transform_indices = @transform_2, window_bounds = array<i64: 1000, 1>}, {pipeline_mode = #tpu.pipeline_mode<synchronous>, transform_indices = @transform_3, window_bounds = array<i64: 1, 1024>}, {pipeline_mode = #tpu.pipeline_mode<synchronous>, transform_indices = @transform_4, window_bounds = array<i64: 128, 128>}, {pipeline_mode = #tpu.pipeline_mode<synchronous>, transform_indices = @transform_5, window_bounds = array<i64: 128, 128>}, {pipeline_mode = #tpu.pipeline_mode<synchronous>, transform_indices = @transform_6, window_bounds = array<i64: 256, 256>}, {pipeline_mode = #tpu.pipeline_mode<synchronous>, transform_indices = @transform_7, window_bounds = array<i64: 1, 256>}, {pipeline_mode = #tpu.pipeline_mode<synchronous>, transform_indices = @transform_8, window_bounds = array<i64: 256, 128>}, {pipeline_mode = #tpu.pipeline_mode<synchronous>, transform_indices = @transform_9, window_bounds = array<i64: 1, 128>}, {pipeline_mode = #tpu.pipeline_mode<synchronous>, transform_indices = @transform_10, window_bounds = array<i64: 512, 128>}]} {
    %lt3A = arith.constant 10 : i32
    %lt3A_0 = arith.cmpi slt, %arg0, %lt3A : i32
    %get3A = arith.constant 0 : index
    %get3A_1 = arith.constant 0 : index
    %get3A_2 = vector.load %arg5[%get3A, %get3A_1] : memref<128x128xf32, #tpu.memory_space<vmem>>, vector<128x128xf32>
    %get3A_3 = arith.constant 0 : index
    %get3A_4 = arith.constant 0 : index
    %get3A_5 = vector.load %arg6[%get3A_3, %get3A_4] : memref<128x128xf32, #tpu.memory_space<vmem>>, vector<128x128xf32>
    %select_n3A = arith.select %lt3A_0, %get3A_2, %get3A_5 : vector<128x128xf32>
    %get3A_6 = arith.constant 0 : index
    %get3A_7 = arith.constant 0 : index
    %get3A_8 = vector.load %arg1[%get3A_6, %get3A_7] : memref<1000x128xf32, #tpu.memory_space<vmem>>, vector<1000x128xf32>
    %get3A_9 = arith.constant 0 : index
    %get3A_10 = arith.constant 0 : index
    %get3A_11 = vector.load %arg2[%get3A_9, %get3A_10] : memref<1000x128xf32, #tpu.memory_space<vmem>>, vector<1000x128xf32>
    %dot_general3A = arith.constant dense<0.000000e+00> : vector<1000x128xf32>
    %dot_general3A_12 = tpu.matmul %get3A_11, %select_n3A, %dot_general3A {dimension_numbers = #tpu.dot_dimension_numbers<[1], [0], [0], [1], [0, 0, 1, 1], [], []>, transpose_lhs_hint = false} : vector<1000x128xf32>, vector<128x128xf32>, vector<1000x128xf32> -> vector<1000x128xf32>
    %add3A = arith.addf %get3A_8, %dot_general3A_12 : vector<1000x128xf32>
    %max3A = arith.constant 0.000000e+00 : f32
    %max3A_13 = vector.broadcast %max3A : f32 to vector<1000x128xf32>
    %max3A_14 = arith.maximumf %add3A, %max3A_13 : vector<1000x128xf32>
    %iota3A = tpu.iota {dimensions = array<i32: 1>} : vector<1000x1536xi32>
    %get3A_15 = arith.constant 0 : index
    %get3A_16 = arith.constant 0 : index
    %get3A_17 = vector.load %arg3[%get3A_15, %get3A_16] : memref<1000x1xi32, #tpu.memory_space<vmem>>, vector<1000x1xi32>
    %eq3A = vector.broadcast %get3A_17 : vector<1000x1xi32> to vector<1000x1536xi32>
    %eq3A_18 = arith.cmpi eq, %iota3A, %eq3A : vector<1000x1536xi32>
    %convert_element_type3A = arith.extui %eq3A_18 : vector<1000x1536xi1> to vector<1000x1536xi32>
    %convert_element_type3A_19 = arith.sitofp %convert_element_type3A : vector<1000x1536xi32> to vector<1000x1536xf32>
    %dot_general3A_20 = arith.constant dense<0.000000e+00> : vector<1536x128xf32>
    %dot_general3A_21 = tpu.matmul %convert_element_type3A_19, %max3A_14, %dot_general3A_20 {dimension_numbers = #tpu.dot_dimension_numbers<[0], [0], [1], [1], [0, 1, 1, 1], [], []>, transpose_lhs_hint = false} : vector<1000x1536xf32>, vector<1000x128xf32>, vector<1536x128xf32> -> vector<1536x128xf32>
    %eq3A_22 = arith.constant 0 : i32
    %eq3A_23 = arith.cmpi eq, %arg0, %eq3A_22 : i32
    %convert_element_type3A_24 = arith.extui %eq3A_23 : i1 to i32
    %cond3A = arith.constant 0 : i32
    %cond3A_25 = arith.cmpi ne, %convert_element_type3A_24, %cond3A : i32
    scf.if %cond3A_25 {
      %swap3A = arith.constant 0 : index
      %swap3A_35 = arith.constant 0 : index
      %swap3A_36 = vector.load %arg12[%swap3A, %swap3A_35] : memref<1536x128xf32, #tpu.memory_space<vmem>>, vector<1536x128xf32>
      tpu.vector_store %arg12[%swap3A, %swap3A_35], %dot_general3A_21 {strides = array<i32>} : memref<1536x128xf32, #tpu.memory_space<vmem>>, vector<1536x128xf32>,
    } else {
    }
    %gt3A = arith.constant 0 : i32
    %gt3A_26 = arith.cmpi sgt, %arg0, %gt3A : i32
    %convert_element_type3A_27 = arith.extui %gt3A_26 : i1 to i32
    %cond3A_28 = arith.constant 0 : i32
    %cond3A_29 = arith.cmpi ne, %convert_element_type3A_27, %cond3A_28 : i32
    scf.if %cond3A_29 {
      %get3A_35 = arith.constant 0 : index
      %get3A_36 = arith.constant 0 : index
      %get3A_37 = vector.load %arg12[%get3A_35, %get3A_36] : memref<1536x128xf32, #tpu.memory_space<vmem>>, vector<1536x128xf32>
      %add3A_38 = arith.addf %get3A_37, %dot_general3A_21 : vector<1536x128xf32>
      %swap3A = arith.constant 0 : index
      %swap3A_39 = arith.constant 0 : index
      %swap3A_40 = vector.load %arg12[%swap3A, %swap3A_39] : memref<1536x128xf32, #tpu.memory_space<vmem>>, vector<1536x128xf32>
      tpu.vector_store %arg12[%swap3A, %swap3A_39], %add3A_38 {strides = array<i32>} : memref<1536x128xf32, #tpu.memory_space<vmem>>, vector<1536x128xf32>,
    } else {
    }
    %eq3A_30 = arith.constant 19 : i32
    %eq3A_31 = arith.cmpi eq, %arg0, %eq3A_30 : i32
    %convert_element_type3A_32 = arith.extui %eq3A_31 : i1 to i32
    %cond3A_33 = arith.constant 0 : i32
    %cond3A_34 = arith.cmpi ne, %convert_element_type3A_32, %cond3A_33 : i32
    scf.if %cond3A_34 {
      %get3A_35 = arith.constant 0 : index
      %get3A_36 = arith.constant 0 : index
      %get3A_37 = vector.load %arg12[%get3A_35, %get3A_36] : memref<1536x128xf32, #tpu.memory_space<vmem>>, vector<512x128xf32>
      %get3A_38 = arith.constant 512 : index
      %get3A_39 = arith.constant 0 : index
      %get3A_40 = vector.load %arg12[%get3A_38, %get3A_39] : memref<1536x128xf32, #tpu.memory_space<vmem>>, vector<1024x128xf32>
      %max3A_41 = arith.constant 0.000000e+00 : f32
      %max3A_42 = vector.broadcast %max3A_41 : f32 to vector<1024x128xf32>
      %max3A_43 = arith.maximumf %get3A_40, %max3A_42 : vector<1024x128xf32>
      %get3A_44 = arith.constant 0 : index
      %get3A_45 = arith.constant 0 : index
      %get3A_46 = vector.load %arg4[%get3A_44, %get3A_45] : memref<1x1024xi32, #tpu.memory_space<vmem>>, vector<1x1024xi32>
      %iota3A_47 = tpu.iota {dimensions = array<i32: 0>} : vector<512x1024xi32>
      %eq3A_48 = vector.broadcast %get3A_46 : vector<1x1024xi32> to vector<512x1024xi32>
      %eq3A_49 = arith.cmpi eq, %iota3A_47, %eq3A_48 : vector<512x1024xi32>
      %convert_element_type3A_50 = arith.extui %eq3A_49 : vector<512x1024xi1> to vector<512x1024xi32>
      %convert_element_type3A_51 = arith.sitofp %convert_element_type3A_50 : vector<512x1024xi32> to vector<512x1024xf32>
      %dot_general3A_52 = arith.constant dense<0.000000e+00> : vector<512x128xf32>
      %dot_general3A_53 = tpu.matmul %convert_element_type3A_51, %max3A_43, %dot_general3A_52 {dimension_numbers = #tpu.dot_dimension_numbers<[1], [0], [0], [1], [0, 0, 1, 1], [], []>, transpose_lhs_hint = false} : vector<512x1024xf32>, vector<1024x128xf32>, vector<512x128xf32> -> vector<512x128xf32>
      %concatenate3A = tpu.concatenate %get3A_37, %dot_general3A_53 in 1 : vector<512x128xf32>, vector<512x128xf32> -> vector<512x256xf32>
      %get3A_54 = arith.constant 0 : index
      %get3A_55 = arith.constant 0 : index
      %get3A_56 = vector.load %arg7[%get3A_54, %get3A_55] : memref<256x256xf32, #tpu.memory_space<vmem>>, vector<256x256xf32>
      %dot_general3A_57 = arith.constant dense<0.000000e+00> : vector<512x256xf32>
      %dot_general3A_58 = tpu.matmul %concatenate3A, %get3A_56, %dot_general3A_57 {dimension_numbers = #tpu.dot_dimension_numbers<[1], [0], [0], [1], [0, 0, 1, 1], [], []>, transpose_lhs_hint = false} : vector<512x256xf32>, vector<256x256xf32>, vector<512x256xf32> -> vector<512x256xf32>
      %get3A_59 = arith.constant 0 : index
      %get3A_60 = arith.constant 0 : index
      %get3A_61 = vector.load %arg8[%get3A_59, %get3A_60] : memref<1x256xf32, #tpu.memory_space<vmem>>, vector<1x256xf32>
      %add3A_62 = vector.broadcast %get3A_61 : vector<1x256xf32> to vector<512x256xf32>
      %add3A_63 = arith.addf %dot_general3A_58, %add3A_62 : vector<512x256xf32>
      %max3A_64 = arith.constant 0.000000e+00 : f32
      %max3A_65 = vector.broadcast %max3A_64 : f32 to vector<512x256xf32>
      %max3A_66 = arith.maximumf %add3A_63, %max3A_65 : vector<512x256xf32>
      %get3A_67 = arith.constant 0 : index
      %get3A_68 = arith.constant 0 : index
      %get3A_69 = vector.load %arg9[%get3A_67, %get3A_68] : memref<256x128xf32, #tpu.memory_space<vmem>>, vector<256x128xf32>
      %dot_general3A_70 = arith.constant dense<0.000000e+00> : vector<512x128xf32>
      %dot_general3A_71 = tpu.matmul %max3A_66, %get3A_69, %dot_general3A_70 {dimension_numbers = #tpu.dot_dimension_numbers<[1], [0], [0], [1], [0, 0, 1, 1], [], []>, transpose_lhs_hint = false} : vector<512x256xf32>, vector<256x128xf32>, vector<512x128xf32> -> vector<512x128xf32>
      %get3A_72 = arith.constant 0 : index
      %get3A_73 = arith.constant 0 : index
      %get3A_74 = vector.load %arg10[%get3A_72, %get3A_73] : memref<1x128xf32, #tpu.memory_space<vmem>>, vector<1x128xf32>
      %add3A_75 = vector.broadcast %get3A_74 : vector<1x128xf32> to vector<512x128xf32>
      %add3A_76 = arith.addf %dot_general3A_71, %add3A_75 : vector<512x128xf32>
      %swap3A = arith.constant 0 : index
      %swap3A_77 = arith.constant 0 : index
      %swap3A_78 = vector.load %arg11[%swap3A, %swap3A_77] : memref<512x128xf32, #tpu.memory_space<vmem>>, vector<512x128xf32>
      tpu.vector_store %arg11[%swap3A, %swap3A_77], %add3A_76 {strides = array<i32>} : memref<512x128xf32, #tpu.memory_space<vmem>>, vector<512x128xf32>,
    } else {
    }
    return
  }
  func.func @transform_0(%arg0: i32) -> (i32, i32) {
    %c0_i32 = arith.constant 0 : i32
    %c0_i32_0 = arith.constant 0 : i32
    return %arg0, %c0_i32 : i32, i32
  }
  func.func @transform_1(%arg0: i32) -> (i32, i32) {
    %c0_i32 = arith.constant 0 : i32
    %c0_i32_0 = arith.constant 0 : i32
    return %arg0, %c0_i32 : i32, i32
  }
  func.func @transform_2(%arg0: i32) -> (i32, i32) {
    %c0_i32 = arith.constant 0 : i32
    %c0_i32_0 = arith.constant 0 : i32
    return %arg0, %c0_i32 : i32, i32
  }
  func.func @transform_3(%arg0: i32) -> (i32, i32) {
    %c0_i32 = arith.constant 0 : i32
    %c0_i32_0 = arith.constant 0 : i32
    %c0_i32_1 = arith.constant 0 : i32
    return %c0_i32, %c0_i32_0 : i32, i32
  }
  func.func @transform_4(%arg0: i32) -> (i32, i32) {
    %c0_i32 = arith.constant 0 : i32
    %c0_i32_0 = arith.constant 0 : i32
    %c0_i32_1 = arith.constant 0 : i32
    return %c0_i32, %c0_i32_0 : i32, i32
  }
  func.func @transform_5(%arg0: i32) -> (i32, i32) {
    %c0_i32 = arith.constant 0 : i32
    %c0_i32_0 = arith.constant 0 : i32
    %c0_i32_1 = arith.constant 0 : i32
    return %c0_i32, %c0_i32_0 : i32, i32
  }
  func.func @transform_6(%arg0: i32) -> (i32, i32) {
    %c0_i32 = arith.constant 0 : i32
    %c0_i32_0 = arith.constant 0 : i32
    %c0_i32_1 = arith.constant 0 : i32
    return %c0_i32, %c0_i32_0 : i32, i32
  }
  func.func @transform_7(%arg0: i32) -> (i32, i32) {
    %c0_i32 = arith.constant 0 : i32
    %c0_i32_0 = arith.constant 0 : i32
    %c0_i32_1 = arith.constant 0 : i32
    return %c0_i32, %c0_i32_0 : i32, i32
  }
  func.func @transform_8(%arg0: i32) -> (i32, i32) {
    %c0_i32 = arith.constant 0 : i32
    %c0_i32_0 = arith.constant 0 : i32
    %c0_i32_1 = arith.constant 0 : i32
    return %c0_i32, %c0_i32_0 : i32, i32
  }
  func.func @transform_9(%arg0: i32) -> (i32, i32) {
    %c0_i32 = arith.constant 0 : i32
    %c0_i32_0 = arith.constant 0 : i32
    %c0_i32_1 = arith.constant 0 : i32
    return %c0_i32, %c0_i32_0 : i32, i32
  }
  func.func @transform_10(%arg0: i32) -> (i32, i32) {
    %c0_i32 = arith.constant 0 : i32
    %c0_i32_0 = arith.constant 0 : i32
    %c0_i32_1 = arith.constant 0 : i32
    return %c0_i32, %c0_i32_0 : i32, i32
  }
}

</mosaic_0001>

<sc_bundles>
// kernel: kernel.5.cloned.1.call-start
scs
__scs_entry_jumppad:
0x0: {  	(pc) =	sbr.rel $0x88, $3  }
0x1: {  	(tag) =	ssettag $0x0;
	lr =	simm.s32 $0x1  }
0x2: {  	[smem:$0x3F90] =	sst lr;
	_ =	strace $0xD0000000  }
0x3: {  	_ = 	snop  }
0x4: {  	_ = 	snop  }
0x5: {  	_ = 	snop  }
0x6: {  	_ = 	snop  }
0x7: {  	_ = 	snop  }
__scs_overlays_trampoline_lowered:
0x8: {  	[smem:$0x3F9F] =	sst s0  }
0x9: {  	[smem:$0x3FA0] =	sst s1  }
0xa: {  	[smem:$0x3FA1] =	sst s2  }
0xb: {  	[smem:$0x3FA2] =	sst s3  }
0xc: {  	[smem:$0x3FA3] =	sst s4  }
0xd: {  	[smem:$0x3FA4] =	sst s5  }
0xe: {  	[smem:$0x3FA5] =	sst s6  }
0xf: {  	[smem:$0x3FA6] =	sst s7  }
0x10: {  	[smem:$0x3FA7] =	sst s8  }
0x11: {  	[smem:$0x3FA8] =	sst s9;
	s0 =	simm.s32 @!p0 $0x0  }
0x12: {  	s1 =	sld [smem:$0x3F8E];
	s0 =	simm.s32 @p0 $0x1  }
0x13: {  	[smem:$0x3FA9] =	sst s0;
	s0 =	simm.s32 @!p1 $0x0  }
0x14: {  	s2 =	sld [smem:$0x3F8D];
	s0 =	simm.s32 @p1 $0x1  }
0x15: {  	[smem:$0x3FAA] =	sst s0;
	s0 =	simm.s32 @!p2 $0x0  }
0x16: {  	s3 =	sld [smem:$0x3FDB];
	s0 =	simm.s32 @p2 $0x1  }
0x17: {  	s4 =	simm.s32 $0x1BF5;
	[smem:$0x3FAC] =	sst s0  }
0x18: {  	s0 =	sld [smem:$0x3F8F];
	_ =	swait.ge [sflag:s4], $0x0  }
0x19: {  	s7 =	sld [smem:$0x3F90]  }
0x1a: {  	s8 =	sadd.s32 $0xFFFFE003, lr  }
0x1b: {  	s9 =	sadd.s32 $0xFFFFFEF7, lr;
	s5 =	simm.s32 $0xFFFFFFFF;
	p2 =	slt.u32 s8, $0xFFFFF086  }
0x1c: {  	p1 =	slt.u32 s9, $0xF7A;
	s5 =	simm.s32 @!p2 $0x0  }
0x1d: {  	s5 =	simm.s32 @p1 $0x1;
	p0 =	seq.s32 s7, s2  }
0x1e: {  	s7 =	smul.u32 @!p0 $0xF7A, s2;
	p2 =	seq.s32 @!p0 s5, $0x0  }
0x1f: {  	s9 =	smul.u32 $0xF7A, s1;
	s8 =	simm.s32 @!p0 $0x1BF5;
	p2 =	por !p2, p0  }
0x20: {  	[sflag:s8] =	ssyncset.s32 @!p0 $0xFFFFF086;
	s6 =	sadd.s32 @!p0 s3, s7;
	s7 =	simm.s32 @!p0 $0x108  }
0x21: {  	s3 =	sadd.s32 s3, s9;
	s6 =	sadd.s32 @!p0 $0x88, s6;
	s7 =	simm.s32 @p2 $0x1082  }
0x22: {  	[simem:s7], [sflag:s8] =	dma.local @!p0 [hbm:s6], $0xF7A  }
0x23: {  	s9 =	sor.u32 $0xD0000000, s2;
	s6 =	simm.s32 $0x108;
	_ =	swait.ge @!p0 [sflag:s8], $0x0  }
0x24: {  	s3 =	sadd.s32 $0x88, s3;
	s6 =	simm.s32 @!p1 $0x1082;
	[sflag:s4] =	ssyncset.s32 $0xFFFFF086  }
0x25: {  	[simem:s6], [sflag:s4] =	dma.local [hbm:s3], $0xF7A  }
0x26: {  	[smem:$0x3F90] =	sst s1;
	(tag) =	ssettag s2;
	_ =	strace s9  }
0x27: {  	s1 =	sld [smem:$0x3FA0]  }
0x28: {  	s2 =	sld [smem:$0x3FA1]  }
0x29: {  	s4 =	sld [smem:$0x3FA3]  }
0x2a: {  	p0 =	seq.s32 s5, $0x0;
	s5 =	sld [smem:$0x3FA4]  }
0x2b: {  	s6 =	sld [smem:$0x3FA5]  }
0x2c: {  	s7 =	sld [smem:$0x3FA6]  }
0x2d: {  	s3 =	simm.s32 $0x108;
	s8 =	sld [smem:$0x3FA7]  }
0x2e: {  	s3 =	simm.s32 @!p0 $0x1082;
	s9 =	sld [smem:$0x3FA8]  }
0x2f: {  	lr =	sadd.s32 s0, s3;
	s0 =	sld [smem:$0x3F9F]  }
0x30: {  	s3 =	sld [smem:$0x3FA2]  }
0x31: {  	[smem:$0x3FAB] =	sst s10  }
0x32: {  	s10 =	sld [smem:$0x3FA9];
	_ =	sdelay $0x3  }
0x33: {  	p0 =	seq.s32 s10, $0x1;
	s10 =	sld [smem:$0x3FAB];
	_ =	sdelay $0x3  }
0x34: {  	[smem:$0x3FAB] =	sst s10  }
0x35: {  	s10 =	sld [smem:$0x3FAA];
	_ =	sdelay $0x3  }
0x36: {  	p1 =	seq.s32 s10, $0x1;
	s10 =	sld [smem:$0x3FAB];
	_ =	sdelay $0x3  }
0x37: {  	[smem:$0x3FAB] =	sst s10  }
0x38: {  	s10 =	sld [smem:$0x3FAC]  }
0x39: {  	_ = 	snop;
	(pc) =	sbr.ind lr, $3  }
0x3a: {  	_ = 	snop  }
0x3b: {  	_ = 	snop  }
0x3c: {  	p2 =	seq.s32 s10, $0x1;
	s10 =	sld [smem:$0x3FAB]  }
0x3d: {  	_ =	shalt  }
0x3e: {  	_ =	shalt  }
0x3f: {  	_ =	shalt  }
0x40: {  	_ =	shalt  }
0x41: {  	_ =	shalt  }
0x42: {  	_ =	shalt  }
0x43: {  	_ =	shalt  }
0x44: {  	_ =	shalt  }
0x45: {  	_ =	shalt  }
0x46: {  	_ =	shalt  }
0x47: {  	_ =	shalt  }
0x48: {  	_ =	shalt  }
0x49: {  	_ =	shalt  }
0x4a: {  	_ =	shalt  }
0x4b: {  	_ =	shalt  }
0x4c: {  	_ =	shalt  }
0x4d: {  	_ =	shalt  }
0x4e: {  	_ =	shalt  }
0x4f: {  	_ =	shalt  }
0x50: {  	_ =	shalt  }
0x51: {  	_ =	shalt  }
0x52: {  	_ =	shalt  }
0x53: {  	_ =	shalt  }
0x54: {  	_ =	shalt  }
0x55: {  	_ =	shalt  }
0x56: {  	_ =	shalt  }
0x57: {  	_ =	shalt  }
0x58: {  	_ =	shalt  }
0x59: {  	_ =	shalt  }
0x5a: {  	_ =	shalt  }
0x5b: {  	_ =	shalt  }
0x5c: {  	_ =	shalt  }
0x5d: {  	_ =	shalt  }
0x5e: {  	_ =	shalt  }
0x5f: {  	_ =	shalt  }
0x60: {  	_ =	shalt  }
0x61: {  	_ =	shalt  }
0x62: {  	_ =	shalt  }
0x63: {  	_ =	shalt  }
0x64: {  	_ =	shalt  }
0x65: {  	_ =	shalt  }
0x66: {  	_ =	shalt  }
0x67: {  	_ =	shalt  }
0x68: {  	_ =	shalt  }
0x69: {  	_ =	shalt  }
0x6a: {  	_ =	shalt  }
0x6b: {  	_ =	shalt  }
0x6c: {  	_ =	shalt  }
0x6d: {  	_ =	shalt  }
0x6e: {  	_ =	shalt  }
0x6f: {  	_ =	shalt  }
0x70: {  	_ =	shalt  }
0x71: {  	_ =	shalt  }
0x72: {  	_ =	shalt  }
0x73: {  	_ =	shalt  }
0x74: {  	_ =	shalt  }
0x75: {  	_ =	shalt  }
0x76: {  	_ =	shalt  }
0x77: {  	_ =	shalt  }
0x78: {  	_ =	shalt  }
0x79: {  	_ =	shalt  }
0x7a: {  	_ =	shalt  }
0x7b: {  	_ =	shalt  }
0x7c: {  	_ =	shalt  }
0x7d: {  	_ =	shalt  }
0x7e: {  	_ =	shalt  }
0x7f: {  	_ =	shalt  }
0x80: {  	_ =	shalt  }
0x81: {  	_ =	shalt  }
0x82: {  	_ =	shalt  }
0x83: {  	_ =	shalt  }
0x84: {  	_ =	shalt  }
0x85: {  	_ =	shalt  }
0x86: {  	_ =	shalt  }
0x87: {  	_ =	shalt  }
.Lfunc_end0:
.L_simem_size_0:
called_computation_lowered:
.L_overlay_start_0:
0x88: {  	s2 =	sld [smem:$0x3FD9]  }
0x89: {  	s3 =	sld [smem:$0x3FFE];
	_ =	sdelay $0x1  }
0x8a: {  	s1 =	srdreg.scid  }
0x8b: {  	s0 =	sand.u32 $0x1, s1  }
0x8c: {  	s16 =	sshll.u32 s0, $0xA;
	s2 =	sadd.s32 s3, s2  }
0x8d: {  	s2 =	sadd.s32 s2, s16  }
0x8e: {  	[smem:$0x3FB7] =	sst s2  }
0x8f: {  	_ = 	snop  }
0x90: {  	(tm) =	ssettm $0x1  }
0x91: {  	s17 =	sld [smem:$0x3FFB];
	_ =	sdelay $0x3  }
0x92: {  	_ =	strace s17  }
0x93: {  	s2 =	sld [smem:$0x3FFC];
	_ =	sdelay $0x3  }
0x94: {  	_ =	strace s2  }
0x95: {  	s2 =	sld [smem:$0x3FFD];
	_ =	sdelay $0x3  }
0x96: {  	_ =	strace s2  }
0x97: {  	_ =	strace $0x8FFFFFFF  }
0x98: {  	s18 =	sld [smem:$0x3FDB];
	_ =	sdelay $0x1  }
0x99: {  	s19 =	simm.s32 $_scs_section_size  }
0x9a: {  	s4 =	simm.s32 $_size__tile_overlayer_lowered;
	s5 =	simm.s32 $_tile_overlayer_lowered  }
0x9b: {  	s22 =	simm.s32 $0x1BFF;
	s21 =	sshll.u32 s5, $0x1;
	s2 =	sadd.s32 s19, s18  }
0x9c: {  	s6 =	simm.s32 $0x0;
	s20 =	sshll.u32 s4, $0x1;
	s4 =	sadd.s32 s21, s2  }
0x9d: {  	[timem:s6], [sflag:s22] =	dma.local [hbm:s4], s20  }
0x9e: {  	_ =	swait.ge [sflag:s22], s20  }
0x9f: {  	s3 =	ssub.s32 $0x0, s20;
	[sflag:s22] =	ssyncset.done $0x0  }
0xa0: {  	[sflag:s22] =	ssyncadd.s32 s3;
	_ =	sdelay $0x1  }
0xa1: {  	s23 =	simm.s32 $0x1B8B  }
0xa2: {  	_ =	swait.ge [sflag:s23], $0x1  }
0xa3: {  	[sflag:s23] =	ssyncset.done $0x0  }
0xa4: {  	s25 =	simm.s32 $0x1B8E;
	s24 =	sld [smem:$0x3FFE];
	[sflag:s23] =	ssyncadd.s32 $0xFFFFFFFF  }
0xa5: {  	s26 =	simm.s32 $execute0_lowered;
	[smem:$0x3FD2] =	sst s25  }
0xa6: {  	s4 =	sshll.u32 s26, $0x1;
	_ =	strace $0x80000046;
	[dreg:$0x1] =	wrdreg $0xFFFFFFFF  }
0xa7: {  	s28 =	simm.s32 $_size_execute0_lowered;
	s2 =	sadd.s32 s2, s4;
	[dreg:$0x0] =	wrdreg $0x0  }
0xa8: {  	s4 =	sshll.u32 s28, $0x1;
	[dreg:$0x2] =	wrdreg s2  }
0xa9: {  	[dreg:$0x3] =	wrdreg s4  }
0xaa: {  	[dreg:$0x4] =	wrdreg $0xC0  }
0xab: {  	_ =	task [dreg:s6], $0x5FFFF  }
0xac: {  	[dreg:$0x1] =	wrdreg $0xFFFFFFFF  }
0xad: {  	[dreg:$0x0] =	wrdreg $0x60  }
0xae: {  	[dreg:$0x2] =	wrdreg s24  }
0xaf: {  	[dreg:$0x3] =	wrdreg $0xAA000  }
0xb0: {  	[dreg:$0x4] =	wrdreg $0x9  }
0xb1: {  	_ =	task.clear_ibuf [dreg:s6], $0x5FFFF;
	_ =	strace $0x90000046  }
0xb2: {  	s29 =	simm.s32 $0x9;
	_ =	strace $0x80000048  }
0xb3: {  	_ =	swait.ge [sflag:s29], $0x1  }
0xb4: {  	[sflag:s29] =	ssyncadd.s32 $0xFFFFFFFF  }
0xb5: {  	_ =	strace $0x90000048  }
0xb6: {  	_ =	sfence  }
0xb7: {  	s30 =	sld [smem:$0x0];
	_ =	sdelay $0x2  }
0xb8: {  	s31 =	sshll.u32 s1, $0xD;
	s1 =	sshrl.u32 s1, $0x2  }
0xb9: {  	s3 =	sand.u32 $0x4000, s31;
	s1 =	sadd.s32 s1, s30  }
0xba: {  	s0 =	sor.u32 s3, s0;
	s1 =	sshll.u32 s1, $0x11  }
0xbb: {  	s0 =	sor.u32 s1, s0  }
0xbc: {  	s0 =	sadd.s32 $0x8F2B, s0  }
0xbd: {  	[sflag:s0] =	ssyncadd.remote.s32 $0x1  }
0xbe: {  	_ =	sfence.sel $0xFFFF  }
0xbf: {  	[dreg:$0x0] =	wrdreg $0xFFFFFFFF;
	(pc) =	sbr.abs _section_cstart, $3  }
0xc0: {  	[dreg:$0x1] =	wrdreg $0xFFFFFFFF  }
0xc1: {  	_ =	task.clear_ibuf [dreg:s6], $0x2FFFF;
	_ =	strace $0x9FFFFFFF  }
0xc2: {  	(tm) =	ssettm $0x7FFFFFFF  }
0xc3: {  	_ =	shalt  }
tec
execute0_lowered:
.L_overlay_start_1:
0x0: {  	(tag) =	ssettag $0x1  }
0x1: {  	s0 =	srdreg.scid;
	s20 =	stileid.u32  }
0x2: {  	s2 =	rddreg [dreg:$0x0];
	s7 =	smul.u32 $0x5000, s20  }
0x3: {  	s1 =	simm.s32 $0x0;
	s0 =	sand.u32 $0x1, s0;
	s23 =	smul.u32 $0x500, s20  }
0x4: {  	[smem:$0x7FF] =	sst s1;
	s3 =	smul.u32 $0x27100, s0  }
0x5: {  	s10 =	sor.u32 $0x20, s20;
	s4 =	ssub.s32 $0x2, s0;
	s0 =	smul.u32 $0x50000, s0  }
0x6: {  	s5 =	sadd.s32 $0x4F800, s2;
	s24 =	sor.u32 $0x50, s20;
	s13 =	smul.u32 $0x500, s10  }
0x7: {  	s8 =	sadd.s32 $0x63800, s2;
	s26 =	sor.u32 $0x70, s20;
	s17 =	smul.u32 $0x500, s24  }
0x8: {  	s25 =	sor.u32 $0x60, s20;
	s19 =	smul.u32 $0x500, s26;
	s0 =	sadd.s32 s7, s0  }
0x9: {  	s6 =	sshrl.u32 s4, $0x1;
	s3 =	sadd.s32 s3, s2;
	s9 =	sshrl.u32 s0, $0x3  }
0xa: {  	s4 =	ssub.s32 s4, s6;
	s6 =	sor.u32 $0x10, s20;
	s12 =	sadd.s32 s5, s9  }
0xb: {  	s3 =	sadd.s32 $0x77800, s3;
	s14 =	sadd.s32 s8, s9;
	[dreg:$0x3] =	wrdreg s12  }
0xc: {  	s11 =	smul.u32 $0x500, s6;
	s7 =	sadd.s32 s3, s23;
	[dreg:$0x4] =	wrdreg s14  }
0xd: {  	s9 =	sor.u32 $0x10, s9;
	s18 =	sadd.s32 s3, s13;
	[dreg:$0x5] =	wrdreg s7  }
0xe: {  	s23 =	sadd.s32 s3, s17;
	s12 =	sor.u32 $0x30, s20;
	[dreg:$0x7] =	wrdreg s18  }
0xf: {  	s7 =	smul.u32 $0x500, s25;
	s11 =	sadd.s32 s3, s11;
	[dreg:$0xa] =	wrdreg s23  }
0x10: {  	s14 =	sor.u32 $0x40, s20;
	[dreg:$0x6] =	wrdreg s11;
	s11 =	sadd.s32 s8, s9  }
0x11: {  	s15 =	smul.u32 $0x500, s12;
	s7 =	sadd.s32 s3, s7;
	[dreg:$0xe] =	wrdreg s11  }
0x12: {  	s31 =	simm.s32 $0x8200;
	s16 =	smul.u32 $0x500, s14;
	[dreg:$0xb] =	wrdreg s7  }
0x13: {  	p0 =	sgt.u32 s26, $0x7C;
	s21 =	sadd.s32 s3, s15;
	s15 =	rddreg [dreg:$0x1]  }
0x14: {  	s13 =	smul.u32 $0xA000, s6;
	s22 =	sadd.s32 s3, s16;
	[dreg:$0x8] =	wrdreg s21  }
0x15: {  	s3 =	sadd.s32 s3, s19;
	s7 =	sadd.s32 s5, s9;
	[dreg:$0x9] =	wrdreg s22  }
0x16: {  	s19 =	sor.u32 $0x180, s0;
	s9 =	smul.u32 $0xA000, s14;
	[dreg:$0xc] =	wrdreg s3  }
0x17: {  	s0 =	sor.u32 $0x100, s0;
	[dreg:$0xd] =	wrdreg s7;
	s21 =	smul.u32 $0xA000, s10  }
0x18: {  	s6 =	sshrl.u32 s19, $0x3;
	s0 =	sshrl.u32 s0, $0x3;
	s10 =	smul.u32 $0xA000, s24  }
0x19: {  	s3 =	sshrl.u32 s13, $0x2;
	s13 =	smul.u32 $0xA000, s26;
	s7 =	simm.s32 $0x2  }
0x1a: {  	s16 =	sadd.s32 s6, s8;
	s17 =	sadd.s32 s6, s5;
	s18 =	sadd.s32 s0, s8  }
0x1b: {  	s19 =	sadd.s32 s0, s5;
	_ =	strace $0x80000047;
	s5 =	smul.u32 $0xA000, s20  }
0x1c: {  	s20 =	sadd.s32 $0x1400, s2;
	s6 =	smax.u32 s4, $0x1;
	s8 =	smul.u32 $0xA000, s12  }
0x1d: {  	s23 =	sadd.s32 s3, s15;
	s12 =	smul.u32 $0xA000, s25;
	s4 =	sshrl.u32 s9, $0x2  }
0x1e: {  	s3 =	simm.s32 $0x200;
	s9 =	simm.s32 $0x4;
	[dreg:$0xf] =	wrdreg s6  }
0x1f: {  	s11 =	sshrl.u32 s21, $0x2;
	s26 =	sadd.s32 s4, s15;
	s21 =	sshrl.u32 s13, $0x2  }
0x20: {  	s4 =	simm.s32 $0x180;
	s6 =	simm.s32 $0x4200;
	s0 =	sshrl.u32 s5, $0x2  }
0x21: {  	s2 =	sshrl.u32 s8, $0x2;
	s24 =	sadd.s32 s11, s15;
	s14 =	sshrl.u32 s12, $0x2  }
0x22: {  	s30 =	sadd.s32 s21, s15;
	s5 =	simm.s32 $0x1;
	s8 =	simm.s32 $0x3  }
0x23: {  	s22 =	sadd.s32 s0, s15;
	s25 =	sadd.s32 s2, s15;
	s0 =	sshrl.u32 s10, $0x2  }
0x24: {  	s29 =	sadd.s32 s14, s15;
	s14 =	simm.s32 $0x5;
	s2 =	simm.s32 $0x80  }
0x25: {  	v0 =	vimm.f32 $0.0e+00;
	s10 =	simm.s32 $0x0;
	s28 =	sadd.s32 s0, s15;
	s0 =	simm.s32 $0x100  }
.LBB2_1:
0x26: {  	s11 =	sand.u32 $0xFE00, s1  }
0x27: {  	s12 =	sand.u32 $0x70, s1;
	s13 =	sshrl.u32 s11, $0x2  }
0x28: {  	s11 =	simm.s32 $0x40;
	s13 =	sor.u32 s12, s13;
	s12 =	simm.s32 $0x0  }
.LBB2_2:
0x29: {  	p1 =	sne.s32 s11, $0x9FC0  }
0x2a: {  	[tilespmem:s13+$0x8200] =	vst v0;
	s12 =	sadd.s32 $0x10, s12;
	s13 =	smov.u32 s11;
	s11 =	sadd.s32 $0x40, s11  }
.Ltmp0:
0x2b: {  	(pc) =	sbr.rel @p1 .LBB2_2-.Ltmp0, $4  }
0x2c: {  	_ = 	snop  }
0x2d: {  	s13 =	sand.u32 $0xFE00, s13  }
0x2e: {  	s21 =	sand.u32 $0x70, s12;
	s13 =	sshrl.u32 s13, $0x2  }
0x2f: {  	s13 =	sor.u32 s21, s13  }
0x30: {  	[tilespmem:s13+$0x8200] =	vst v0  }
0x31: {  	[spmem:s22] =	stream.linear.scatter [tilespmem:s31], [sflag:$0x5], $0x2800, $0x38;
	[tilespmem:$0x1E280] =	vst v63  }
0x32: {  	_ =	swait.ge [sflag:s14], $0x2800  }
0x33: {  	[sflag:s14] =	ssyncset.done $0x0  }
0x34: {  	[sflag:s14] =	ssyncadd.s32 $0xFFFFD800  }
0x35: {  	[spmem:s23] =	stream.linear.scatter [tilespmem:s31], [sflag:$0x5], $0x2800, $0x38;
	[tilespmem:$0x1E280] =	vst v63  }
0x36: {  	_ =	swait.ge [sflag:s14], $0x2800  }
0x37: {  	[sflag:s14] =	ssyncset.done $0x0  }
0x38: {  	[sflag:s14] =	ssyncadd.s32 $0xFFFFD800  }
0x39: {  	[spmem:s24] =	stream.linear.scatter [tilespmem:s31], [sflag:$0x5], $0x2800, $0x38;
	[tilespmem:$0x1E280] =	vst v63  }
0x3a: {  	_ =	swait.ge [sflag:s14], $0x2800  }
0x3b: {  	[sflag:s14] =	ssyncset.done $0x0  }
0x3c: {  	[sflag:s14] =	ssyncadd.s32 $0xFFFFD800  }
0x3d: {  	[spmem:s25] =	stream.linear.scatter [tilespmem:s31], [sflag:$0x5], $0x2800, $0x38;
	[tilespmem:$0x1E280] =	vst v63  }
0x3e: {  	_ =	swait.ge [sflag:s14], $0x2800  }
0x3f: {  	[sflag:s14] =	ssyncset.done $0x0  }
0x40: {  	[sflag:s14] =	ssyncadd.s32 $0xFFFFD800  }
0x41: {  	[spmem:s26] =	stream.linear.scatter [tilespmem:s31], [sflag:$0x5], $0x2800, $0x38;
	[tilespmem:$0x1E280] =	vst v63  }
0x42: {  	_ =	swait.ge [sflag:s14], $0x2800  }
0x43: {  	[sflag:s14] =	ssyncset.done $0x0  }
0x44: {  	[sflag:s14] =	ssyncadd.s32 $0xFFFFD800  }
0x45: {  	[spmem:s28] =	stream.linear.scatter [tilespmem:s31], [sflag:$0x5], $0x2800, $0x38;
	[tilespmem:$0x1E280] =	vst v63  }
0x46: {  	_ =	swait.ge [sflag:s14], $0x2800  }
0x47: {  	[sflag:s14] =	ssyncset.done $0x0  }
0x48: {  	[sflag:s14] =	ssyncadd.s32 $0xFFFFD800  }
0x49: {  	[spmem:s29] =	stream.linear.scatter [tilespmem:s31], [sflag:$0x5], $0x2800, $0x38;
	[tilespmem:$0x1E280] =	vst v63  }
0x4a: {  	_ =	swait.ge [sflag:s14], $0x2800  }
0x4b: {  	[sflag:s14] =	ssyncset.done $0x0  }
0x4c: {  	s11 =	simm.s32 @!p0 $0x8200;
	[sflag:s14] =	ssyncadd.s32 $0xFFFFD800  }
0x4d: {  	[spmem:s30] =	stream.linear.scatter @!p0 [tilespmem:s11], [sflag:$0x5], $0x2800, $0x38;
	[tilespmem:$0x1E280] =	vst v63  }
0x4e: {  	s11 =	simm.s32 @!p0 $0x5  }
0x4f: {  	_ =	swait.ge @!p0 [sflag:s11], $0x2800  }
0x50: {  	[sflag:s11] =	ssyncset.done @!p0 $0x0  }
0x51: {  	s12 =	rddreg [dreg:$0x3];
	[sflag:s11] =	ssyncadd.s32 @!p0 $0xFFFFD800;
	s11 =	simm.s32 $0x0  }
0x52: {  	[tilespmem:s11], [sflag:$0x5] =	stream.linear.gather [hbm4b:s12+s11], $0x80, $0x38;
	[tilespmem:$0x1E280] =	vst v63  }
0x53: {  	_ =	swait.ge [sflag:s14], $0x80  }
0x54: {  	[sflag:s14] =	ssyncset.done $0x0  }
0x55: {  	s13 =	rddreg [dreg:$0x4];
	[sflag:s14] =	ssyncadd.s32 $0xFFFFFF80  }
0x56: {  	[tilespmem:s0], [sflag:$0x5] =	stream.linear.gather [hbm4b:s13+s11], $0x80, $0x38;
	[tilespmem:$0x1E280] =	vst v63  }
0x57: {  	_ =	swait.ge [sflag:s14], $0x80  }
0x58: {  	[sflag:s14] =	ssyncset.done $0x0  }
0x59: {  	[sflag:s14] =	ssyncadd.s32 $0xFFFFFF80  }
0x5a: {  	[bflag:$0x0] =	sbarrier.arrive $0xFFFF  }
0x5b: {  	[tilespmem:s3], [sflag:$0x1] =	stream.indirect.gather [hbm4b:s20+s2], $0x80, s11, s2, $0xb8;
	[tilespmem:$0x1E280] =	vst v63  }
0x5c: {  	s21 =	rddreg [dreg:$0xd]  }
0x5d: {  	[tilespmem:s2], [sflag:$0x5] =	stream.linear.gather [hbm4b:s21+s11], $0x80, $0x38;
	[tilespmem:$0x1E280] =	vst v63  }
0x5e: {  	_ =	swait.ge [sflag:s14], $0x80  }
0x5f: {  	[sflag:s14] =	ssyncset.done $0x0  }
0x60: {  	s13 =	rddreg [dreg:$0xe];
	[sflag:s14] =	ssyncadd.s32 $0xFFFFFF80  }
0x61: {  	[tilespmem:s4], [sflag:$0x5] =	stream.linear.gather [hbm4b:s13+s11], $0x80, $0x38;
	[tilespmem:$0x1E280] =	vst v63  }
0x62: {  	_ =	swait.ge [sflag:s14], $0x80  }
0x63: {  	[sflag:s14] =	ssyncset.done $0x0  }
0x64: {  	[sflag:s14] =	ssyncadd.s32 $0xFFFFFF80  }
0x65: {  	_ =	swait.ge [sflag:s5], $0x4000  }
0x66: {  	[sflag:s5] =	ssyncset.done $0x0  }
0x67: {  	[sflag:s5] =	ssyncadd.s32 $0xFFFFC000  }
0x68: {  	[tilespmem:s6], [sflag:$0x2] =	stream.indirect.gather [hbm4b:s20+s2], $0x80, s2, s2, $0xb8;
	[tilespmem:$0x1E280] =	vst v63  }
0x69: {  	s21 =	sadd.s32 $0x0, s19  }
0x6a: {  	[tilespmem:s1], [sflag:$0x3] =	stream.linear.gather [hbm4b:s21+s1], $0x80, $0x38;
	[tilespmem:$0x1E280] =	vst v63  }
0x6b: {  	_ = 	snop  }
0x6c: {  	[spmem:s15] =	stream.indirect.scatter.add.f32 [tilespmem:s3], [sflag:$0x5], $0x80, s0, s2, $0xb8;
	[tilespmem:$0x1E280] =	vst v63  }
0x6d: {  	_ =	swait.ge [sflag:s14], $0x4000  }
0x6e: {  	[sflag:s14] =	ssyncset.done $0x0  }
0x6f: {  	s12 =	sadd.s32 $0x0, s18;
	[sflag:s14] =	ssyncadd.s32 $0xFFFFC000  }
0x70: {  	[tilespmem:s0], [sflag:$0x3] =	stream.linear.gather [hbm4b:s12+s1], $0x80, $0x38;
	[tilespmem:$0x1E280] =	vst v63  }
0x71: {  	_ =	swait.ge [sflag:s7], $0x4000  }
0x72: {  	[sflag:s7] =	ssyncset.done $0x0  }
0x73: {  	[sflag:s7] =	ssyncadd.s32 $0xFFFFC000  }
0x74: {  	_ =	swait.ge [sflag:s8], $0x80  }
0x75: {  	[sflag:s8] =	ssyncset.done $0x0  }
0x76: {  	[sflag:s8] =	ssyncadd.s32 $0xFFFFFF80  }
0x77: {  	_ =	swait.ge [sflag:s8], $0x80  }
0x78: {  	[sflag:s8] =	ssyncset.done $0x0  }
0x79: {  	[sflag:s8] =	ssyncadd.s32 $0xFFFFFF80  }
0x7a: {  	[tilespmem:s3], [sflag:$0x1] =	stream.indirect.gather [hbm4b:s20+s2], $0x80, s1, s2, $0xb8;
	[tilespmem:$0x1E280] =	vst v63  }
0x7b: {  	s13 =	sadd.s32 $0x0, s17  }
0x7c: {  	[tilespmem:s2], [sflag:$0x4] =	stream.linear.gather [hbm4b:s13+s1], $0x80, $0x38;
	[tilespmem:$0x1E280] =	vst v63  }
0x7d: {  	_ = 	snop  }
0x7e: {  	[spmem:s15] =	stream.indirect.scatter.add.f32 [tilespmem:s6], [sflag:$0x5], $0x80, s4, s2, $0xb8;
	[tilespmem:$0x1E280] =	vst v63  }
0x7f: {  	_ =	swait.ge [sflag:s14], $0x4000  }
0x80: {  	[sflag:s14] =	ssyncset.done $0x0  }
0x81: {  	s21 =	sadd.s32 $0x0, s16;
	[sflag:s14] =	ssyncadd.s32 $0xFFFFC000  }
0x82: {  	[tilespmem:s4], [sflag:$0x4] =	stream.linear.gather [hbm4b:s21+s1], $0x80, $0x38;
	[tilespmem:$0x1E280] =	vst v63  }
0x83: {  	_ =	swait.ge [sflag:s9], $0x80  }
0x84: {  	[sflag:s9] =	ssyncset.done $0x0  }
0x85: {  	[sflag:s9] =	ssyncadd.s32 $0xFFFFFF80  }
0x86: {  	_ =	swait.ge [sflag:s9], $0x80  }
0x87: {  	s11 =	simm.s32 $0x20;
	[sflag:s9] =	ssyncset.done $0x0  }
.LBB2_4:
0x88: {  	p1 =	sne.s32 s11, $0x9C0  }
0x89: {  	[sflag:s9] =	ssyncadd.s32 $0xFFFFFF80;
	s12 =	smov.u32 s11;
	s11 =	sadd.s32 $0x20, s11  }
0x8a: {  	_ =	swait.ge [sflag:s5], $0x4000  }
0x8b: {  	[sflag:s5] =	ssyncset.done $0x0  }
0x8c: {  	[sflag:s5] =	ssyncadd.s32 $0xFFFFC000  }
0x8d: {  	[tilespmem:s6], [sflag:$0x2] =	stream.indirect.gather [hbm4b:s20+s2], $0x80, s2, s2, $0xb8;
	[tilespmem:$0x1E280] =	vst v63  }
0x8e: {  	s13 =	sadd.s32 s12, s19  }
0x8f: {  	[tilespmem:s1], [sflag:$0x3] =	stream.linear.gather [hbm4b:s13+s1], $0x80, $0x38;
	[tilespmem:$0x1E280] =	vst v63  }
0x90: {  	_ = 	snop  }
0x91: {  	[spmem:s15] =	stream.indirect.scatter.add.f32 [tilespmem:s3], [sflag:$0x5], $0x80, s0, s2, $0xb8;
	[tilespmem:$0x1E280] =	vst v63  }
0x92: {  	_ =	swait.ge [sflag:s14], $0x4000  }
0x93: {  	[sflag:s14] =	ssyncset.done $0x0  }
0x94: {  	s13 =	sadd.s32 s12, s18;
	[sflag:s14] =	ssyncadd.s32 $0xFFFFC000  }
0x95: {  	[tilespmem:s0], [sflag:$0x3] =	stream.linear.gather [hbm4b:s13+s1], $0x80, $0x38;
	[tilespmem:$0x1E280] =	vst v63  }
0x96: {  	_ =	swait.ge [sflag:s7], $0x4000  }
0x97: {  	[sflag:s7] =	ssyncset.done $0x0  }
0x98: {  	[sflag:s7] =	ssyncadd.s32 $0xFFFFC000  }
0x99: {  	_ =	swait.ge [sflag:s8], $0x80  }
0x9a: {  	[sflag:s8] =	ssyncset.done $0x0  }
0x9b: {  	[sflag:s8] =	ssyncadd.s32 $0xFFFFFF80  }
0x9c: {  	_ =	swait.ge [sflag:s8], $0x80  }
0x9d: {  	[sflag:s8] =	ssyncset.done $0x0  }
0x9e: {  	[sflag:s8] =	ssyncadd.s32 $0xFFFFFF80  }
0x9f: {  	[tilespmem:s3], [sflag:$0x1] =	stream.indirect.gather [hbm4b:s20+s2], $0x80, s1, s2, $0xb8;
	[tilespmem:$0x1E280] =	vst v63  }
0xa0: {  	s13 =	sadd.s32 s12, s17  }
0xa1: {  	[tilespmem:s2], [sflag:$0x4] =	stream.linear.gather [hbm4b:s13+s1], $0x80, $0x38;
	[tilespmem:$0x1E280] =	vst v63  }
0xa2: {  	_ = 	snop  }
0xa3: {  	[spmem:s15] =	stream.indirect.scatter.add.f32 [tilespmem:s6], [sflag:$0x5], $0x80, s4, s2, $0xb8;
	[tilespmem:$0x1E280] =	vst v63  }
0xa4: {  	_ =	swait.ge [sflag:s14], $0x4000  }
0xa5: {  	[sflag:s14] =	ssyncset.done $0x0  }
0xa6: {  	s12 =	sadd.s32 s12, s16;
	[sflag:s14] =	ssyncadd.s32 $0xFFFFC000  }
0xa7: {  	[tilespmem:s4], [sflag:$0x4] =	stream.linear.gather [hbm4b:s12+s1], $0x80, $0x38;
	[tilespmem:$0x1E280] =	vst v63  }
.Ltmp1:
0xa8: {  	_ =	swait.ge [sflag:s9], $0x80;
	(pc) =	sbr.rel @p1 .LBB2_4-.Ltmp1, $4  }
0xa9: {  	[sflag:s9] =	ssyncset.done $0x0  }
0xaa: {  	[sflag:s9] =	ssyncadd.s32 $0xFFFFFF80  }
0xab: {  	_ =	swait.ge [sflag:s9], $0x80  }
0xac: {  	[sflag:s9] =	ssyncset.done $0x0  }
0xad: {  	[sflag:s9] =	ssyncadd.s32 $0xFFFFFF80  }
0xae: {  	_ =	swait.ge [sflag:s5], $0x4000  }
0xaf: {  	[sflag:s5] =	ssyncset.done $0x0  }
0xb0: {  	[sflag:s5] =	ssyncadd.s32 $0xFFFFC000  }
0xb1: {  	[tilespmem:s6], [sflag:$0x2] =	stream.indirect.gather [hbm4b:s20+s2], $0x80, s2, s2, $0xb8;
	[tilespmem:$0x1E280] =	vst v63  }
0xb2: {  	_ = 	snop  }
0xb3: {  	[spmem:s15] =	stream.indirect.scatter.add.f32 [tilespmem:s3], [sflag:$0x5], $0x80, s0, s2, $0xb8;
	[tilespmem:$0x1E280] =	vst v63  }
0xb4: {  	_ =	swait.ge [sflag:s14], $0x4000  }
0xb5: {  	[sflag:s14] =	ssyncset.done $0x0  }
0xb6: {  	[sflag:s14] =	ssyncadd.s32 $0xFFFFC000  }
0xb7: {  	_ =	swait.ge [sflag:s7], $0x4000  }
0xb8: {  	[sflag:s7] =	ssyncset.done $0x0  }
0xb9: {  	[sflag:s7] =	ssyncadd.s32 $0xFFFFC000  }
0xba: {  	[spmem:s15] =	stream.indirect.scatter.add.f32 [tilespmem:s6], [sflag:$0x5], $0x80, s4, s2, $0xb8;
	[tilespmem:$0x1E280] =	vst v63  }
0xbb: {  	_ =	swait.ge [sflag:s14], $0x4000  }
0xbc: {  	[sflag:s14] =	ssyncset.done $0x0  }
0xbd: {  	s11 =	stileid.u32;
	[sflag:s14] =	ssyncadd.s32 $0xFFFFC000  }
0xbe: {  	s11 =	sshll.u32 s11, $0x6;
	[bflag:$0x0] =	sbarrier.arrive $0xFFFF  }
0xbf: {  	s12 =	sshrl.u32 s22, $0x3;
	s11 =	sor.u32 $0x1C05, s11;
	s13 =	rddreg [dreg:$0x5]  }
0xc0: {  	[hbm:s13], [sflag:s11] =	dma.local [spmem:s12], $0x500  }
0xc1: {  	_ =	swait.ge [sflag:s14], $0x500  }
0xc2: {  	[sflag:s14] =	ssyncset.done $0x0  }
0xc3: {  	s13 =	sshrl.u32 s23, $0x3;
	s21 =	rddreg [dreg:$0x6];
	[sflag:s14] =	ssyncadd.s32 $0xFFFFFB00  }
0xc4: {  	[hbm:s21], [sflag:s11] =	dma.local [spmem:s13], $0x500  }
0xc5: {  	_ =	swait.ge [sflag:s14], $0x500  }
0xc6: {  	[sflag:s14] =	ssyncset.done $0x0  }
0xc7: {  	s13 =	sshrl.u32 s24, $0x3;
	s21 =	rddreg [dreg:$0x7];
	[sflag:s14] =	ssyncadd.s32 $0xFFFFFB00  }
0xc8: {  	[hbm:s21], [sflag:s11] =	dma.local [spmem:s13], $0x500  }
0xc9: {  	_ =	swait.ge [sflag:s14], $0x500  }
0xca: {  	[sflag:s14] =	ssyncset.done $0x0  }
0xcb: {  	s13 =	sshrl.u32 s25, $0x3;
	s21 =	rddreg [dreg:$0x8];
	[sflag:s14] =	ssyncadd.s32 $0xFFFFFB00  }
0xcc: {  	[hbm:s21], [sflag:s11] =	dma.local [spmem:s13], $0x500  }
0xcd: {  	_ =	swait.ge [sflag:s14], $0x500  }
0xce: {  	[sflag:s14] =	ssyncset.done $0x0  }
0xcf: {  	s13 =	sshrl.u32 s26, $0x3;
	s21 =	rddreg [dreg:$0x9];
	[sflag:s14] =	ssyncadd.s32 $0xFFFFFB00  }
0xd0: {  	[hbm:s21], [sflag:s11] =	dma.local [spmem:s13], $0x500  }
0xd1: {  	_ =	swait.ge [sflag:s14], $0x500  }
0xd2: {  	[sflag:s14] =	ssyncset.done $0x0  }
0xd3: {  	s13 =	sshrl.u32 s28, $0x3;
	s21 =	rddreg [dreg:$0xa];
	[sflag:s14] =	ssyncadd.s32 $0xFFFFFB00  }
0xd4: {  	[hbm:s21], [sflag:s11] =	dma.local [spmem:s13], $0x500  }
0xd5: {  	_ =	swait.ge [sflag:s14], $0x500  }
0xd6: {  	[sflag:s14] =	ssyncset.done $0x0  }
0xd7: {  	s13 =	sshrl.u32 s29, $0x3;
	s21 =	rddreg [dreg:$0xb];
	[sflag:s14] =	ssyncadd.s32 $0xFFFFFB00  }
0xd8: {  	[hbm:s21], [sflag:s11] =	dma.local [spmem:s13], $0x500  }
0xd9: {  	_ =	swait.ge [sflag:s14], $0x500  }
0xda: {  	[sflag:s14] =	ssyncset.done $0x0  }
0xdb: {  	s12 =	sshrl.u32 @!p0 s30, $0x3;
	s13 =	rddreg [dreg:$0xc];
	[sflag:s14] =	ssyncadd.s32 $0xFFFFFB00  }
0xdc: {  	[hbm:s13], [sflag:s11] =	dma.local @!p0 [spmem:s12], $0x500  }
0xdd: {  	s11 =	simm.s32 @!p0 $0x5  }
0xde: {  	_ =	swait.ge @!p0 [sflag:s11], $0x500  }
0xdf: {  	s10 =	sadd.s32 $0x1, s10;
	s21 =	rddreg [dreg:$0xf]  }
0xe0: {  	p1 =	sne.s32 s10, s21  }
.Ltmp2:
0xe1: {  	_ = 	snop;
	(pc) =	sbr.rel @p1 .LBB2_1-.Ltmp2, $3  }
0xe2: {  	_ =	sdelay $0x1  }
0xe3: {  	[sflag:s11] =	ssyncset.done @!p0 $0x0  }
0xe4: {  	[sflag:s11] =	ssyncadd.s32 @!p0 $0xFFFFFB00  }
0xe5: {  	_ =	sfence.sel $0x180000  }
0xe6: {  	[bflag:$0x0] =	sbarrier.arrive $0xFFFF  }
0xe7: {  	_ =	strace $0x90000047  }
0xe8: {  	s0 =	stileid.u32;
	[bflag:$0x2] =	sbarrier.arrive $0xFFFF  }
0xe9: {  	p0 =	sne.s32 s0, $0x0;
	s0 =	rddreg [dreg:$0x2]  }
0xea: {  	s0 =	sadd.s32 @!p0 $0x100000, s0  }
0xeb: {  	[sflag:s0] =	ssyncadd.tile.s32 @!p0 $0x1;
	_ =	shalt  }
.Lfunc_end2:
_tile_overlayer_lowered:
.L_overlay_start_2:
0xec: {  	(tag) =	ssettag $0x2  }
0xed: {  	s0 =	rddreg [dreg:$0x0];
	s2 =	stileid.u32  }
0xee: {  	s1 =	rddreg [dreg:$0x1];
	p0 =	sne.s32 s2, $0x0  }
0xef: {  	s3 =	rddreg [dreg:$0x2];
	[bflag:$0x3] =	sbarrier.arrive $0xFFFF;
	s2 =	simm.s32 @!p0 $0x1C05  }
0xf0: {  	[timem:s3], [sflag:s2] =	dma.local @!p0 [hbm:s0], s1  }
0xf1: {  	s0 =	simm.s32 @!p0 $0x5  }
0xf2: {  	_ =	swait.ge @!p0 [sflag:s0], s1  }
0xf3: {  	s1 =	ssub.s32 @!p0 $0x0, s1;
	[sflag:s0] =	ssyncset.done @!p0 $0x0  }
0xf4: {  	[sflag:s0] =	ssyncadd.s32 @!p0 s1  }
0xf5: {  	[bflag:$0x3] =	sbarrier.arrive $0xFFFF  }
0xf6: {  	_ =	shalt  }

</sc_bundles>
